<compile_context>
chip_gen: v7x
topology: tpu7x:2x2x1
jax: 0.10.2.dev20260603
libtpu: 0.0.44.dev20260713+nightly
codegen_flags: <defaults>
</compile_context>

<pallas_src>
import functools

import jax
import jax.numpy as jnp
from jax import lax
from jax.experimental import pallas as pl
from jax.experimental.pallas import tpu as pltpu
from jax.experimental.pallas import tpu_sc as plsc

NC = 2
NS = 16
CHUNK = 80
N_PAD = 10240
H = 128
DEG_W = 16
EPS = 1e-5

_MESH = plsc.VectorSubcoreMesh(
    core_axis_name="c", subcore_axis_name="s", num_cores=NC, num_subcores=NS
)



def _degree_body(dst_hbm, ones_hbm, zeros_hbm, out_hbm, dstv, ones_v, acc_sh):
    c = lax.axis_index("c")
    s = lax.axis_index("s")
    rpt = N_PAD // NS
    base = s * rpt
    pltpu.sync_copy(zeros_hbm.at[pl.ds(base, rpt), :],
                    acc_sh.at[pl.ds(base, rpt), :])
    pltpu.sync_copy(ones_hbm, ones_v)
    plsc.subcore_barrier()

    e_total = dst_hbm.shape[0]
    ept = e_total // (NC * NS)
    tile_base = (c * NS + s) * ept
    nchunks = ept // CHUNK

    def body(j, carry):
        eb = tile_base + j * CHUNK
        pltpu.sync_copy(dst_hbm.at[pl.ds(eb, CHUNK)], dstv)
        pltpu.sync_copy(ones_v, acc_sh.at[dstv], add=True)
        return carry

    lax.fori_loop(0, nchunks, body, 0)
    plsc.subcore_barrier()
    pltpu.sync_copy(acc_sh.at[pl.ds(base, rpt), :],
                    out_hbm.at[c, pl.ds(base, rpt), :])


def _degree_call(dst):
    e = dst.shape[0]
    kern = functools.partial(
        pl.kernel,
        out_type=jax.ShapeDtypeStruct((NC, N_PAD, DEG_W), jnp.float32),
        mesh=_MESH,
        scratch_types=[
            pltpu.VMEM((CHUNK,), jnp.int32),
            pltpu.VMEM((CHUNK, DEG_W), jnp.float32),
            pltpu.VMEM_SHARED((N_PAD, DEG_W), jnp.float32),
        ],
    )(_degree_body)
    ones = jnp.ones((CHUNK, DEG_W), jnp.float32)
    zeros = jnp.zeros((N_PAD, DEG_W), jnp.float32)
    return kern(dst, ones, zeros)


def _propagate_body(z_hbm, src_hbm, dst_hbm, out_hbm, src_v, dst_v, rows_v,
                    acc_sh, sem):
    c = lax.axis_index("c")
    s = lax.axis_index("s")
    rpt = N_PAD // NS
    base = s * rpt
    pltpu.sync_copy(z_hbm.at[pl.ds(base, rpt), :],
                    acc_sh.at[pl.ds(base, rpt), :])
    plsc.subcore_barrier()

    e_total = src_hbm.shape[0]
    ept = e_total // (NC * NS)
    tile_base = (c * NS + s) * ept
    nchunks = ept // CHUNK

    def body(j, carry):
        eb = tile_base + j * CHUNK
        pltpu.sync_copy(src_hbm.at[pl.ds(eb, CHUNK)], src_v)
        pltpu.async_copy(z_hbm.at[src_v], rows_v, sem).wait()
        pltpu.sync_copy(dst_hbm.at[pl.ds(eb, CHUNK)], dst_v)
        pltpu.sync_copy(rows_v, acc_sh.at[dst_v], add=True)
        return carry

    lax.fori_loop(0, nchunks, body, 0)
    plsc.subcore_barrier()
    pltpu.sync_copy(acc_sh.at[pl.ds(base, rpt), :],
                    out_hbm.at[c, pl.ds(base, rpt), :])


def _propagate_call(z, src, dst):
    kern = functools.partial(
        pl.kernel,
        out_type=jax.ShapeDtypeStruct((NC, N_PAD, H), jnp.float32),
        mesh=_MESH,
        scratch_types=[
            pltpu.VMEM((CHUNK,), jnp.int32),
            pltpu.VMEM((CHUNK,), jnp.int32),
            pltpu.VMEM((CHUNK, H), jnp.float32),
            pltpu.VMEM_SHARED((N_PAD, H), jnp.float32),
            pltpu.SemaphoreType.DMA,
        ],
    )(_propagate_body)
    return kern(z, src, dst)



def _dinv_body(parts_ref, o_ref):
    deg = parts_ref[0, :, 0:1] + parts_ref[1, :, 0:1] + 1.0
    o_ref[...] = lax.rsqrt(deg)


def _dinv_call(parts):
    return pl.pallas_call(
        _dinv_body,
        out_shape=jax.ShapeDtypeStruct((N_PAD, 1), jnp.float32),
    )(parts)


def _emb_mm_body(n, x_ref, wemb_ref, bemb_ref, w0_ref, dinv_ref, o_ref):
    h = jnp.dot(x_ref[...], wemb_ref[...], preferred_element_type=jnp.float32)
    h = h + bemb_ref[...]
    xw = jnp.dot(h, w0_ref[...], preferred_element_type=jnp.float32)
    o_ref[0:n, :] = xw * dinv_ref[0:n, :]
    o_ref[n:, :] = jnp.zeros((N_PAD - n, o_ref.shape[1]), jnp.float32)


def _emb_mm_call(x, w_emb, b_emb, w0, dinv):
    n = x.shape[0]
    return pl.pallas_call(
        functools.partial(_emb_mm_body, n),
        out_shape=jax.ShapeDtypeStruct((N_PAD, H), jnp.float32),
    )(x, w_emb, b_emb.reshape(1, -1), w0, dinv)


def _mm_scale_body(n, h_ref, w_ref, dinv_ref, o_ref):
    xw = jnp.dot(h_ref[...], w_ref[...], preferred_element_type=jnp.float32)
    o_ref[0:n, :] = xw * dinv_ref[0:n, :]
    o_ref[n:, :] = jnp.zeros((N_PAD - n, o_ref.shape[1]), jnp.float32)


def _mm_scale_call(h, w, dinv):
    n = h.shape[0]
    return pl.pallas_call(
        functools.partial(_mm_scale_body, n),
        out_shape=jax.ShapeDtypeStruct((N_PAD, H), jnp.float32),
    )(h, w, dinv)


def _combine_bn_body(n, parts_ref, z_ref, dinv_ref, cb_ref, g_ref, b_ref,
                     o_ref):
    t = parts_ref[0, 0:n, :] + parts_ref[1, 0:n, :] - z_ref[0:n, :]
    t = t * dinv_ref[0:n, :] + cb_ref[...]
    mean = jnp.mean(t, axis=0, keepdims=True)
    d = t - mean
    var = jnp.mean(d * d, axis=0, keepdims=True)
    o_ref[...] = jnp.maximum(
        d * lax.rsqrt(var + EPS) * g_ref[...] + b_ref[...], 0.0)


def _combine_bn_call(n, parts, z, dinv, cb, g, b):
    return pl.pallas_call(
        functools.partial(_combine_bn_body, n),
        out_shape=jax.ShapeDtypeStruct((n, H), jnp.float32),
    )(parts, z, dinv, cb.reshape(1, -1), g.reshape(1, -1), b.reshape(1, -1))


def _pool_out_body(h_ref, wout_ref, bout_ref, o_ref):
    pooled = jnp.mean(h_ref[...], axis=0, keepdims=True)
    o_ref[...] = jnp.dot(pooled, wout_ref[...],
                         preferred_element_type=jnp.float32) + bout_ref[...]


def _pool_out_call(h, w_out, b_out):
    o = w_out.shape[1]
    return pl.pallas_call(
        _pool_out_body,
        out_shape=jax.ShapeDtypeStruct((1, o), jnp.float32),
    )(h, w_out, b_out.reshape(1, -1))



def kernel(x, edge_index, W_emb, b_emb, conv_w, conv_b, bn_g, bn_b, W_out,
           b_out):
    n = x.shape[0]
    e = edge_index.shape[1]
    layers = conv_w.shape[0]

    src = edge_index[0]
    dst = edge_index[1]
    step = NC * NS * CHUNK
    e_pad = ((e + step - 1) // step) * step
    if e_pad != e:
        pad = jnp.full((e_pad - e,), N_PAD - 1, dtype=src.dtype)
        src = jnp.concatenate([src, pad])
        dst = jnp.concatenate([dst, pad])

    deg_parts = _degree_call(dst)
    dinv = _dinv_call(deg_parts)

    z = _emb_mm_call(x, W_emb, b_emb, conv_w[0], dinv)
    h = None
    for i in range(layers):
        parts = _propagate_call(z, src, dst)
        h = _combine_bn_call(n, parts, z, dinv, conv_b[i], bn_g[i], bn_b[i])
        if i + 1 < layers:
            z = _mm_scale_call(h, conv_w[i + 1], dinv)

    return _pool_out_call(h, W_out, b_out)

# --- scband reference (transcript-rebuilt; emitter-appended) ---
"""Pipeline reference for scband-direct-prediction-gnn-12317966205319 (READ-ONLY COPY).

The authoritative reference and input builder live on the scoring server;
editing this copy changes nothing except your own understanding.
"""

import jax, jax.numpy as jnp
import numpy as np

N = 10000
E = 320000
D = 128
H = 128
O = 1
L = 4


def setup_inputs(seed: int = 0) -> dict:
    key = jax.random.key(seed)
    ks = jax.random.split(key, 12)
    inp = {}
    inp["x"] = jax.random.normal(ks[0], (N, D), dtype=jnp.float32)
    inp["edge_index"] = jax.random.randint(ks[1], (2, E), 0, N, dtype=jnp.int32)
    # node_embedding Linear(D -> H)
    inp["W_emb"] = jax.random.normal(ks[2], (D, H), dtype=jnp.float32) * 0.05
    inp["b_emb"] = jnp.zeros((H,), dtype=jnp.float32)
    # GCNConv weights (lin: H -> H, bias H) stacked over layers
    inp["conv_w"] = jax.random.normal(ks[3], (L, H, H), dtype=jnp.float32) * 0.05
    inp["conv_b"] = jnp.zeros((L, H), dtype=jnp.float32)
    # BatchNorm1d affine params
    inp["bn_g"] = jnp.ones((L, H), dtype=jnp.float32)
    inp["bn_b"] = jnp.zeros((L, H), dtype=jnp.float32)
    # output Linear(H -> O)
    inp["W_out"] = jax.random.normal(ks[4], (H, O), dtype=jnp.float32) * 0.05
    inp["b_out"] = jnp.zeros((O,), dtype=jnp.float32)
    return inp


def _gcn_conv(x, edge_index, W, b):
    # PyG GCNConv: add self-loops, symmetric normalization, x' = D^-1/2 (A+I) D^-1/2 (x W) + b
    n = x.shape[0]
    src = edge_index[0]
    dst = edge_index[1]
    loop = jnp.arange(n, dtype=src.dtype)
    src = jnp.concatenate([src, loop])
    dst = jnp.concatenate([dst, loop])
    deg = jnp.zeros((n,), dtype=x.dtype).at[dst].add(1.0)
    deg_inv_sqrt = jax.lax.rsqrt(jnp.where(deg > 0, deg, 1.0))
    norm = deg_inv_sqrt[src] * deg_inv_sqrt[dst]
    xw = x @ W
    msg = xw[src] * norm[:, None]
    out = jax.ops.segment_sum(msg, dst, num_segments=n)
    return out + b


def _batchnorm(x, g, b, eps=1e-5):
    # training-mode batch statistics (torch default mode after construction)
    mean = jnp.mean(x, axis=0)
    var = jnp.var(x, axis=0)
    return (x - mean) * jax.lax.rsqrt(var + eps) * g + b


def reference(x, edge_index, W_emb, b_emb, conv_w, conv_b, bn_g, bn_b, W_out, b_out):
    h = x @ W_emb + b_emb
    for i in range(L):
        h = _gcn_conv(h, edge_index, conv_w[i], conv_b[i])
        h = _batchnorm(h, bn_g[i], bn_b[i])
        h = jax.nn.relu(h)
        # dropout_rate = 0.0 -> identity
    h = jnp.mean(h, axis=0, keepdims=True)
    out = h @ W_out + b_out
    return out

if __name__ == "__main__":
    import jax
    _d = setup_inputs()
    print(jax.jit(kernel)(*tuple(_d.values())))

</pallas_src>

<mosaic_0001>
#map = affine_map<(d0, d1) -> (0, 0)>
#map1 = affine_map<(d0, d1) -> (0)>
#map2 = affine_map<(d0, d1) -> (0, 0, 0)>
module attributes {stable_mosaic.version = 14 : i64} {
  func.func @_propagate_body(%arg0: i32, %arg1: i32, %arg2: memref<10240x128xf32, #tpu.memory_space<hbm>>, %arg3: memref<320000xi32, #tpu.memory_space<hbm>>, %arg4: memref<320000xi32, #tpu.memory_space<hbm>>, %arg5: memref<2x10240x128xf32, #tpu.memory_space<hbm>>, %arg6: memref<80xi32, #tpu.memory_space<vmem>>, %arg7: memref<80xi32, #tpu.memory_space<vmem>>, %arg8: memref<80x128xf32, #tpu.memory_space<vmem>>, %arg9: memref<10240x128xf32, #tpu.memory_space<vmem_shared>>, %arg10: memref<!tpu.dma_semaphore, #tpu.memory_space<semaphore_mem>>) attributes {dimension_semantics = [#tpu.dimension_semantics<core_parallel>, #tpu.dimension_semantics<subcore_parallel>], iteration_bounds = array<i64: 2, 16>, scalar_prefetch = 0 : i64, scratch_operands = 5 : i64, tpu.core_type = #tpu.core_type<sc_vector_subcore>, window_params = [{transform_indices = #map}, {transform_indices = #map1}, {transform_indices = #map1}, {transform_indices = #map2}]} {
    %mul3A = arith.constant 640 : i32
    %mul3A_0 = arith.muli %arg1, %mul3A : i32
    "tpu.region"() ({
      %run_scoped3A = tpu.sem_alloc : memref<!tpu.dma_semaphore, #tpu.memory_space<semaphore_mem>>
      %dma_start3A = arith.constant 0 : i32
      %dma_start3A_11 = tpu.memref_slice %arg9[%mul3A_0, %dma_start3A] : memref<10240x128xf32, #tpu.memory_space<vmem_shared>> -> memref<640x128xf32, #tpu.memory_space<vmem_shared>>
      %dma_start3A_12 = arith.constant 0 : i32
      %dma_start3A_13 = tpu.memref_slice %arg2[%mul3A_0, %dma_start3A_12] : memref<10240x128xf32, #tpu.memory_space<hbm>> -> memref<640x128xf32, #tpu.memory_space<hbm>>
      tpu.enqueue_dma source(%dma_start3A_13 : memref<640x128xf32, #tpu.memory_space<hbm>>) target(%dma_start3A_11 : memref<640x128xf32, #tpu.memory_space<vmem_shared>>) target_semaphore(%run_scoped3A : memref<!tpu.dma_semaphore, #tpu.memory_space<semaphore_mem>>)
      %dma_wait3A = arith.constant 0 : i32
      %dma_wait3A_14 = tpu.memref_slice %arg9[%mul3A_0, %dma_wait3A] : memref<10240x128xf32, #tpu.memory_space<vmem_shared>> -> memref<640x128xf32, #tpu.memory_space<vmem_shared>>
      %dma_wait3A_15 = arith.constant 0 : i32
      %dma_wait3A_16 = tpu.memref_slice %arg2[%mul3A_0, %dma_wait3A_15] : memref<10240x128xf32, #tpu.memory_space<hbm>> -> memref<640x128xf32, #tpu.memory_space<hbm>>
      tpu.wait_dma2 semaphore(%run_scoped3A : memref<!tpu.dma_semaphore, #tpu.memory_space<semaphore_mem>>) src(%dma_wait3A_16 : memref<640x128xf32, #tpu.memory_space<hbm>>) dst(%dma_wait3A_14 : memref<640x128xf32, #tpu.memory_space<vmem_shared>>)
      tpu.yield
    }) : () -> ()
    %barrier3A = arith.constant 0 : index
    tpu.barrier barrier_id(%barrier3A)
    %mul3A_1 = arith.constant 16 : i32
    %mul3A_2 = arith.muli %arg0, %mul3A_1 : i32
    %add3A = arith.addi %mul3A_2, %arg1 : i32
    %mul3A_3 = arith.constant 10000 : i32
    %mul3A_4 = arith.muli %add3A, %mul3A_3 : i32
    %scan3A = arith.constant 0 : i32
    %scan3A_5 = arith.constant 0 : i32
    %scan3A_6 = arith.constant 125 : i32
    %scan3A_7 = arith.addi %scan3A_5, %scan3A_6 : i32
    %scan3A_8 = arith.constant 1 : i32
    scf.for %scan3A_11 = %scan3A_5 to %scan3A_7 step %scan3A_8  : i32 {
      %mul3A_12 = arith.constant 80 : i32
      %mul3A_13 = arith.muli %scan3A_11, %mul3A_12 : i32
      %add3A_14 = arith.addi %mul3A_4, %mul3A_13 : i32
      "tpu.region"() ({
        %run_scoped3A = tpu.sem_alloc : memref<!tpu.dma_semaphore, #tpu.memory_space<semaphore_mem>>
        %dma_start3A_19 = tpu.memref_slice %arg3[%add3A_14] : memref<320000xi32, #tpu.memory_space<hbm>> -> memref<80xi32, #tpu.memory_space<hbm>>
        %dma_start3A_20 = tpu.memref_slice %arg3[%add3A_14] : memref<320000xi32, #tpu.memory_space<hbm>> -> memref<80xi32, #tpu.memory_space<hbm>>
        tpu.enqueue_dma source(%dma_start3A_20 : memref<80xi32, #tpu.memory_space<hbm>>) target(%arg6 : memref<80xi32, #tpu.memory_space<vmem>>) target_semaphore(%run_scoped3A : memref<!tpu.dma_semaphore, #tpu.memory_space<semaphore_mem>>)
        %dma_wait3A_21 = tpu.memref_slice %arg3[%add3A_14] : memref<320000xi32, #tpu.memory_space<hbm>> -> memref<80xi32, #tpu.memory_space<hbm>>
        %dma_wait3A_22 = tpu.memref_slice %arg3[%add3A_14] : memref<320000xi32, #tpu.memory_space<hbm>> -> memref<80xi32, #tpu.memory_space<hbm>>
        tpu.wait_dma2 semaphore(%run_scoped3A : memref<!tpu.dma_semaphore, #tpu.memory_space<semaphore_mem>>) src(%dma_wait3A_22 : memref<80xi32, #tpu.memory_space<hbm>>) dst(%arg6 : memref<80xi32, #tpu.memory_space<vmem>>)
        tpu.yield
      }) : () -> ()
      %dma_start3A = arith.constant 0 : i32
      %dma_start3A_15 = arith.constant 0 : i32
      %dma_start3A_16 = tpu.memref_slice %arg2[%dma_start3A, %dma_start3A_15] : memref<10240x128xf32, #tpu.memory_space<hbm>> -> memref<10240x128xf32, #tpu.memory_space<hbm>>
      tpu.enqueue_indirect_dma source(%dma_start3A_16 : memref<10240x128xf32, #tpu.memory_space<hbm>>) target(%arg8 : memref<80x128xf32, #tpu.memory_space<vmem>>) offsets(%arg6 : memref<80xi32, #tpu.memory_space<vmem>>) semaphore(%arg10 : memref<!tpu.dma_semaphore, #tpu.memory_space<semaphore_mem>>)
      %dma_wait3A = arith.constant 0 : i32
      %dma_wait3A_17 = arith.constant 0 : i32
      %dma_wait3A_18 = tpu.memref_slice %arg2[%dma_wait3A, %dma_wait3A_17] : memref<10240x128xf32, #tpu.memory_space<hbm>> -> memref<10240x128xf32, #tpu.memory_space<hbm>>
      tpu.wait_indirect_dma semaphore(%arg10 : memref<!tpu.dma_semaphore, #tpu.memory_space<semaphore_mem>>) src(%dma_wait3A_18 : memref<10240x128xf32, #tpu.memory_space<hbm>>) dst(%arg8 : memref<80x128xf32, #tpu.memory_space<vmem>>)
      "tpu.region"() ({
        %run_scoped3A = tpu.sem_alloc : memref<!tpu.dma_semaphore, #tpu.memory_space<semaphore_mem>>
        %dma_start3A_19 = tpu.memref_slice %arg4[%add3A_14] : memref<320000xi32, #tpu.memory_space<hbm>> -> memref<80xi32, #tpu.memory_space<hbm>>
        %dma_start3A_20 = tpu.memref_slice %arg4[%add3A_14] : memref<320000xi32, #tpu.memory_space<hbm>> -> memref<80xi32, #tpu.memory_space<hbm>>
        tpu.enqueue_dma source(%dma_start3A_20 : memref<80xi32, #tpu.memory_space<hbm>>) target(%arg7 : memref<80xi32, #tpu.memory_space<vmem>>) target_semaphore(%run_scoped3A : memref<!tpu.dma_semaphore, #tpu.memory_space<semaphore_mem>>)
        %dma_wait3A_21 = tpu.memref_slice %arg4[%add3A_14] : memref<320000xi32, #tpu.memory_space<hbm>> -> memref<80xi32, #tpu.memory_space<hbm>>
        %dma_wait3A_22 = tpu.memref_slice %arg4[%add3A_14] : memref<320000xi32, #tpu.memory_space<hbm>> -> memref<80xi32, #tpu.memory_space<hbm>>
        tpu.wait_dma2 semaphore(%run_scoped3A : memref<!tpu.dma_semaphore, #tpu.memory_space<semaphore_mem>>) src(%dma_wait3A_22 : memref<80xi32, #tpu.memory_space<hbm>>) dst(%arg7 : memref<80xi32, #tpu.memory_space<vmem>>)
        tpu.yield
      }) : () -> ()
      "tpu.region"() ({
        %run_scoped3A = tpu.sem_alloc : memref<!tpu.dma_semaphore, #tpu.memory_space<semaphore_mem>>
        %dma_start3A_19 = arith.constant 0 : i32
        %dma_start3A_20 = arith.constant 0 : i32
        %dma_start3A_21 = tpu.memref_slice %arg9[%dma_start3A_19, %dma_start3A_20] : memref<10240x128xf32, #tpu.memory_space<vmem_shared>> -> memref<10240x128xf32, #tpu.memory_space<vmem_shared>>
        tpu.enqueue_indirect_dma source(%arg8 : memref<80x128xf32, #tpu.memory_space<vmem>>) target(%dma_start3A_21 : memref<10240x128xf32, #tpu.memory_space<vmem_shared>>) offsets(%arg7 : memref<80xi32, #tpu.memory_space<vmem>>) semaphore(%run_scoped3A : memref<!tpu.dma_semaphore, #tpu.memory_space<semaphore_mem>>) {add = true}
        %dma_wait3A_22 = arith.constant 0 : i32
        %dma_wait3A_23 = arith.constant 0 : i32
        %dma_wait3A_24 = tpu.memref_slice %arg9[%dma_wait3A_22, %dma_wait3A_23] : memref<10240x128xf32, #tpu.memory_space<vmem_shared>> -> memref<10240x128xf32, #tpu.memory_space<vmem_shared>>
        tpu.wait_indirect_dma semaphore(%run_scoped3A : memref<!tpu.dma_semaphore, #tpu.memory_space<semaphore_mem>>) src(%arg8 : memref<80x128xf32, #tpu.memory_space<vmem>>) dst(%dma_wait3A_24 : memref<10240x128xf32, #tpu.memory_space<vmem_shared>>)
        tpu.yield
      }) : () -> ()
    }
    %scan3A_9 = arith.constant 125 : i32
    %barrier3A_10 = arith.constant 0 : index
    tpu.barrier barrier_id(%barrier3A_10)
    "tpu.region"() ({
      %run_scoped3A = tpu.sem_alloc : memref<!tpu.dma_semaphore, #tpu.memory_space<semaphore_mem>>
      %dma_start3A = arith.constant 0 : i32
      %dma_start3A_11 = tpu.memref_slice %arg5[%arg0, %mul3A_0, %dma_start3A] : memref<2x10240x128xf32, #tpu.memory_space<hbm>> -> memref<1x640x128xf32, #tpu.memory_space<hbm>>
      %dma_start3A_12 = tpu.memref_squeeze %dma_start3A_11 : memref<1x640x128xf32, #tpu.memory_space<hbm>> -> memref<640x128xf32, #tpu.memory_space<hbm>>
      %dma_start3A_13 = arith.constant 0 : i32
      %dma_start3A_14 = tpu.memref_slice %arg9[%mul3A_0, %dma_start3A_13] : memref<10240x128xf32, #tpu.memory_space<vmem_shared>> -> memref<640x128xf32, #tpu.memory_space<vmem_shared>>
      tpu.enqueue_dma source(%dma_start3A_14 : memref<640x128xf32, #tpu.memory_space<vmem_shared>>) target(%dma_start3A_12 : memref<640x128xf32, #tpu.memory_space<hbm>>) target_semaphore(%run_scoped3A : memref<!tpu.dma_semaphore, #tpu.memory_space<semaphore_mem>>)
      %dma_wait3A = arith.constant 0 : i32
      %dma_wait3A_15 = tpu.memref_slice %arg5[%arg0, %mul3A_0, %dma_wait3A] : memref<2x10240x128xf32, #tpu.memory_space<hbm>> -> memref<1x640x128xf32, #tpu.memory_space<hbm>>
      %dma_wait3A_16 = tpu.memref_squeeze %dma_wait3A_15 : memref<1x640x128xf32, #tpu.memory_space<hbm>> -> memref<640x128xf32, #tpu.memory_space<hbm>>
      %dma_wait3A_17 = arith.constant 0 : i32
      %dma_wait3A_18 = tpu.memref_slice %arg9[%mul3A_0, %dma_wait3A_17] : memref<10240x128xf32, #tpu.memory_space<vmem_shared>> -> memref<640x128xf32, #tpu.memory_space<vmem_shared>>
      tpu.wait_dma2 semaphore(%run_scoped3A : memref<!tpu.dma_semaphore, #tpu.memory_space<semaphore_mem>>) src(%dma_wait3A_18 : memref<640x128xf32, #tpu.memory_space<vmem_shared>>) dst(%dma_wait3A_16 : memref<640x128xf32, #tpu.memory_space<hbm>>)
      tpu.yield
    }) : () -> ()
    return
  }
}

#map = affine_map<(d0, d1) -> (0, 0)>
#map1 = affine_map<(d0, d1) -> (0)>
#map2 = affine_map<(d0, d1) -> (0, 0, 0)>
module attributes {stable_mosaic.version = 14 : i64} {
  func.func @_propagate_body(%arg0: i32, %arg1: i32, %arg2: memref<10240x128xf32, #tpu.memory_space<hbm>>, %arg3: memref<320000xi32, #tpu.memory_space<hbm>>, %arg4: memref<320000xi32, #tpu.memory_space<hbm>>, %arg5: memref<2x10240x128xf32, #tpu.memory_space<hbm>>, %arg6: memref<80xi32, #tpu.memory_space<vmem>>, %arg7: memref<80xi32, #tpu.memory_space<vmem>>, %arg8: memref<80x128xf32, #tpu.memory_space<vmem>>, %arg9: memref<10240x128xf32, #tpu.memory_space<vmem_shared>>, %arg10: memref<!tpu.dma_semaphore, #tpu.memory_space<semaphore_mem>>) attributes {dimension_semantics = [#tpu.dimension_semantics<core_parallel>, #tpu.dimension_semantics<subcore_parallel>], iteration_bounds = array<i64: 2, 16>, scalar_prefetch = 0 : i64, scratch_operands = 5 : i64, tpu.core_type = #tpu.core_type<sc_vector_subcore>, window_params = [{transform_indices = #map}, {transform_indices = #map1}, {transform_indices = #map1}, {transform_indices = #map2}]} {
    %mul3A = arith.constant 640 : i32
    %mul3A_0 = arith.muli %arg1, %mul3A : i32
    "tpu.region"() ({
      %run_scoped3A = tpu.sem_alloc : memref<!tpu.dma_semaphore, #tpu.memory_space<semaphore_mem>>
      %dma_start3A = arith.constant 0 : i32
      %dma_start3A_11 = tpu.memref_slice %arg9[%mul3A_0, %dma_start3A] : memref<10240x128xf32, #tpu.memory_space<vmem_shared>> -> memref<640x128xf32, #tpu.memory_space<vmem_shared>>
      %dma_start3A_12 = arith.constant 0 : i32
      %dma_start3A_13 = tpu.memref_slice %arg2[%mul3A_0, %dma_start3A_12] : memref<10240x128xf32, #tpu.memory_space<hbm>> -> memref<640x128xf32, #tpu.memory_space<hbm>>
      tpu.enqueue_dma source(%dma_start3A_13 : memref<640x128xf32, #tpu.memory_space<hbm>>) target(%dma_start3A_11 : memref<640x128xf32, #tpu.memory_space<vmem_shared>>) target_semaphore(%run_scoped3A : memref<!tpu.dma_semaphore, #tpu.memory_space<semaphore_mem>>)
      %dma_wait3A = arith.constant 0 : i32
      %dma_wait3A_14 = tpu.memref_slice %arg9[%mul3A_0, %dma_wait3A] : memref<10240x128xf32, #tpu.memory_space<vmem_shared>> -> memref<640x128xf32, #tpu.memory_space<vmem_shared>>
      %dma_wait3A_15 = arith.constant 0 : i32
      %dma_wait3A_16 = tpu.memref_slice %arg2[%mul3A_0, %dma_wait3A_15] : memref<10240x128xf32, #tpu.memory_space<hbm>> -> memref<640x128xf32, #tpu.memory_space<hbm>>
      tpu.wait_dma2 semaphore(%run_scoped3A : memref<!tpu.dma_semaphore, #tpu.memory_space<semaphore_mem>>) src(%dma_wait3A_16 : memref<640x128xf32, #tpu.memory_space<hbm>>) dst(%dma_wait3A_14 : memref<640x128xf32, #tpu.memory_space<vmem_shared>>)
      tpu.yield
    }) : () -> ()
    %barrier3A = arith.constant 0 : index
    tpu.barrier barrier_id(%barrier3A)
    %mul3A_1 = arith.constant 16 : i32
    %mul3A_2 = arith.muli %arg0, %mul3A_1 : i32
    %add3A = arith.addi %mul3A_2, %arg1 : i32
    %mul3A_3 = arith.constant 10000 : i32
    %mul3A_4 = arith.muli %add3A, %mul3A_3 : i32
    %scan3A = arith.constant 0 : i32
    %scan3A_5 = arith.constant 0 : i32
    %scan3A_6 = arith.constant 125 : i32
    %scan3A_7 = arith.addi %scan3A_5, %scan3A_6 : i32
    %scan3A_8 = arith.constant 1 : i32
    scf.for %scan3A_11 = %scan3A_5 to %scan3A_7 step %scan3A_8  : i32 {
      %mul3A_12 = arith.constant 80 : i32
      %mul3A_13 = arith.muli %scan3A_11, %mul3A_12 : i32
      %add3A_14 = arith.addi %mul3A_4, %mul3A_13 : i32
      "tpu.region"() ({
        %run_scoped3A = tpu.sem_alloc : memref<!tpu.dma_semaphore, #tpu.memory_space<semaphore_mem>>
        %dma_start3A_19 = tpu.memref_slice %arg3[%add3A_14] : memref<320000xi32, #tpu.memory_space<hbm>> -> memref<80xi32, #tpu.memory_space<hbm>>
        %dma_start3A_20 = tpu.memref_slice %arg3[%add3A_14] : memref<320000xi32, #tpu.memory_space<hbm>> -> memref<80xi32, #tpu.memory_space<hbm>>
        tpu.enqueue_dma source(%dma_start3A_20 : memref<80xi32, #tpu.memory_space<hbm>>) target(%arg6 : memref<80xi32, #tpu.memory_space<vmem>>) target_semaphore(%run_scoped3A : memref<!tpu.dma_semaphore, #tpu.memory_space<semaphore_mem>>)
        %dma_wait3A_21 = tpu.memref_slice %arg3[%add3A_14] : memref<320000xi32, #tpu.memory_space<hbm>> -> memref<80xi32, #tpu.memory_space<hbm>>
        %dma_wait3A_22 = tpu.memref_slice %arg3[%add3A_14] : memref<320000xi32, #tpu.memory_space<hbm>> -> memref<80xi32, #tpu.memory_space<hbm>>
        tpu.wait_dma2 semaphore(%run_scoped3A : memref<!tpu.dma_semaphore, #tpu.memory_space<semaphore_mem>>) src(%dma_wait3A_22 : memref<80xi32, #tpu.memory_space<hbm>>) dst(%arg6 : memref<80xi32, #tpu.memory_space<vmem>>)
        tpu.yield
      }) : () -> ()
      %dma_start3A = arith.constant 0 : i32
      %dma_start3A_15 = arith.constant 0 : i32
      %dma_start3A_16 = tpu.memref_slice %arg2[%dma_start3A, %dma_start3A_15] : memref<10240x128xf32, #tpu.memory_space<hbm>> -> memref<10240x128xf32, #tpu.memory_space<hbm>>
      tpu.enqueue_indirect_dma source(%dma_start3A_16 : memref<10240x128xf32, #tpu.memory_space<hbm>>) target(%arg8 : memref<80x128xf32, #tpu.memory_space<vmem>>) offsets(%arg6 : memref<80xi32, #tpu.memory_space<vmem>>) semaphore(%arg10 : memref<!tpu.dma_semaphore, #tpu.memory_space<semaphore_mem>>)
      %dma_wait3A = arith.constant 0 : i32
      %dma_wait3A_17 = arith.constant 0 : i32
      %dma_wait3A_18 = tpu.memref_slice %arg2[%dma_wait3A, %dma_wait3A_17] : memref<10240x128xf32, #tpu.memory_space<hbm>> -> memref<10240x128xf32, #tpu.memory_space<hbm>>
      tpu.wait_indirect_dma semaphore(%arg10 : memref<!tpu.dma_semaphore, #tpu.memory_space<semaphore_mem>>) src(%dma_wait3A_18 : memref<10240x128xf32, #tpu.memory_space<hbm>>) dst(%arg8 : memref<80x128xf32, #tpu.memory_space<vmem>>)
      "tpu.region"() ({
        %run_scoped3A = tpu.sem_alloc : memref<!tpu.dma_semaphore, #tpu.memory_space<semaphore_mem>>
        %dma_start3A_19 = tpu.memref_slice %arg4[%add3A_14] : memref<320000xi32, #tpu.memory_space<hbm>> -> memref<80xi32, #tpu.memory_space<hbm>>
        %dma_start3A_20 = tpu.memref_slice %arg4[%add3A_14] : memref<320000xi32, #tpu.memory_space<hbm>> -> memref<80xi32, #tpu.memory_space<hbm>>
        tpu.enqueue_dma source(%dma_start3A_20 : memref<80xi32, #tpu.memory_space<hbm>>) target(%arg7 : memref<80xi32, #tpu.memory_space<vmem>>) target_semaphore(%run_scoped3A : memref<!tpu.dma_semaphore, #tpu.memory_space<semaphore_mem>>)
        %dma_wait3A_21 = tpu.memref_slice %arg4[%add3A_14] : memref<320000xi32, #tpu.memory_space<hbm>> -> memref<80xi32, #tpu.memory_space<hbm>>
        %dma_wait3A_22 = tpu.memref_slice %arg4[%add3A_14] : memref<320000xi32, #tpu.memory_space<hbm>> -> memref<80xi32, #tpu.memory_space<hbm>>
        tpu.wait_dma2 semaphore(%run_scoped3A : memref<!tpu.dma_semaphore, #tpu.memory_space<semaphore_mem>>) src(%dma_wait3A_22 : memref<80xi32, #tpu.memory_space<hbm>>) dst(%arg7 : memref<80xi32, #tpu.memory_space<vmem>>)
        tpu.yield
      }) : () -> ()
      "tpu.region"() ({
        %run_scoped3A = tpu.sem_alloc : memref<!tpu.dma_semaphore, #tpu.memory_space<semaphore_mem>>
        %dma_start3A_19 = arith.constant 0 : i32
        %dma_start3A_20 = arith.constant 0 : i32
        %dma_start3A_21 = tpu.memref_slice %arg9[%dma_start3A_19, %dma_start3A_20] : memref<10240x128xf32, #tpu.memory_space<vmem_shared>> -> memref<10240x128xf32, #tpu.memory_space<vmem_shared>>
        tpu.enqueue_indirect_dma source(%arg8 : memref<80x128xf32, #tpu.memory_space<vmem>>) target(%dma_start3A_21 : memref<10240x128xf32, #tpu.memory_space<vmem_shared>>) offsets(%arg7 : memref<80xi32, #tpu.memory_space<vmem>>) semaphore(%run_scoped3A : memref<!tpu.dma_semaphore, #tpu.memory_space<semaphore_mem>>) {add = true}
        %dma_wait3A_22 = arith.constant 0 : i32
        %dma_wait3A_23 = arith.constant 0 : i32
        %dma_wait3A_24 = tpu.memref_slice %arg9[%dma_wait3A_22, %dma_wait3A_23] : memref<10240x128xf32, #tpu.memory_space<vmem_shared>> -> memref<10240x128xf32, #tpu.memory_space<vmem_shared>>
        tpu.wait_indirect_dma semaphore(%run_scoped3A : memref<!tpu.dma_semaphore, #tpu.memory_space<semaphore_mem>>) src(%arg8 : memref<80x128xf32, #tpu.memory_space<vmem>>) dst(%dma_wait3A_24 : memref<10240x128xf32, #tpu.memory_space<vmem_shared>>)
        tpu.yield
      }) : () -> ()
    }
    %scan3A_9 = arith.constant 125 : i32
    %barrier3A_10 = arith.constant 0 : index
    tpu.barrier barrier_id(%barrier3A_10)
    "tpu.region"() ({
      %run_scoped3A = tpu.sem_alloc : memref<!tpu.dma_semaphore, #tpu.memory_space<semaphore_mem>>
      %dma_start3A = arith.constant 0 : i32
      %dma_start3A_11 = tpu.memref_slice %arg5[%arg0, %mul3A_0, %dma_start3A] : memref<2x10240x128xf32, #tpu.memory_space<hbm>> -> memref<1x640x128xf32, #tpu.memory_space<hbm>>
      %dma_start3A_12 = tpu.memref_squeeze %dma_start3A_11 : memref<1x640x128xf32, #tpu.memory_space<hbm>> -> memref<640x128xf32, #tpu.memory_space<hbm>>
      %dma_start3A_13 = arith.constant 0 : i32
      %dma_start3A_14 = tpu.memref_slice %arg9[%mul3A_0, %dma_start3A_13] : memref<10240x128xf32, #tpu.memory_space<vmem_shared>> -> memref<640x128xf32, #tpu.memory_space<vmem_shared>>
      tpu.enqueue_dma source(%dma_start3A_14 : memref<640x128xf32, #tpu.memory_space<vmem_shared>>) target(%dma_start3A_12 : memref<640x128xf32, #tpu.memory_space<hbm>>) target_semaphore(%run_scoped3A : memref<!tpu.dma_semaphore, #tpu.memory_space<semaphore_mem>>)
      %dma_wait3A = arith.constant 0 : i32
      %dma_wait3A_15 = tpu.memref_slice %arg5[%arg0, %mul3A_0, %dma_wait3A] : memref<2x10240x128xf32, #tpu.memory_space<hbm>> -> memref<1x640x128xf32, #tpu.memory_space<hbm>>
      %dma_wait3A_16 = tpu.memref_squeeze %dma_wait3A_15 : memref<1x640x128xf32, #tpu.memory_space<hbm>> -> memref<640x128xf32, #tpu.memory_space<hbm>>
      %dma_wait3A_17 = arith.constant 0 : i32
      %dma_wait3A_18 = tpu.memref_slice %arg9[%mul3A_0, %dma_wait3A_17] : memref<10240x128xf32, #tpu.memory_space<vmem_shared>> -> memref<640x128xf32, #tpu.memory_space<vmem_shared>>
      tpu.wait_dma2 semaphore(%run_scoped3A : memref<!tpu.dma_semaphore, #tpu.memory_space<semaphore_mem>>) src(%dma_wait3A_18 : memref<640x128xf32, #tpu.memory_space<vmem_shared>>) dst(%dma_wait3A_16 : memref<640x128xf32, #tpu.memory_space<hbm>>)
      tpu.yield
    }) : () -> ()
    return
  }
}

#map = affine_map<(d0, d1) -> (0)>
#map1 = affine_map<(d0, d1) -> (0, 0)>
#map2 = affine_map<(d0, d1) -> (0, 0, 0)>
module attributes {stable_mosaic.version = 14 : i64} {
  func.func @_degree_body(%arg0: i32, %arg1: i32, %arg2: memref<320000xi32, #tpu.memory_space<hbm>>, %arg3: memref<80x16xf32, #tpu.memory_space<hbm>>, %arg4: memref<10240x16xf32, #tpu.memory_space<hbm>>, %arg5: memref<2x10240x16xf32, #tpu.memory_space<hbm>>, %arg6: memref<80xi32, #tpu.memory_space<vmem>>, %arg7: memref<80x16xf32, #tpu.memory_space<vmem>>, %arg8: memref<10240x16xf32, #tpu.memory_space<vmem_shared>>) attributes {dimension_semantics = [#tpu.dimension_semantics<core_parallel>, #tpu.dimension_semantics<subcore_parallel>], iteration_bounds = array<i64: 2, 16>, scalar_prefetch = 0 : i64, scratch_operands = 3 : i64, tpu.core_type = #tpu.core_type<sc_vector_subcore>, window_params = [{transform_indices = #map}, {transform_indices = #map1}, {transform_indices = #map1}, {transform_indices = #map2}]} {
    %mul3A = arith.constant 640 : i32
    %mul3A_0 = arith.muli %arg1, %mul3A : i32
    "tpu.region"() ({
      %run_scoped3A = tpu.sem_alloc : memref<!tpu.dma_semaphore, #tpu.memory_space<semaphore_mem>>
      %dma_start3A = arith.constant 0 : i32
      %dma_start3A_11 = tpu.memref_slice %arg8[%mul3A_0, %dma_start3A] : memref<10240x16xf32, #tpu.memory_space<vmem_shared>> -> memref<640x16xf32, #tpu.memory_space<vmem_shared>>
      %dma_start3A_12 = arith.constant 0 : i32
      %dma_start3A_13 = tpu.memref_slice %arg4[%mul3A_0, %dma_start3A_12] : memref<10240x16xf32, #tpu.memory_space<hbm>> -> memref<640x16xf32, #tpu.memory_space<hbm>>
      tpu.enqueue_dma source(%dma_start3A_13 : memref<640x16xf32, #tpu.memory_space<hbm>>) target(%dma_start3A_11 : memref<640x16xf32, #tpu.memory_space<vmem_shared>>) target_semaphore(%run_scoped3A : memref<!tpu.dma_semaphore, #tpu.memory_space<semaphore_mem>>)
      %dma_wait3A = arith.constant 0 : i32
      %dma_wait3A_14 = tpu.memref_slice %arg8[%mul3A_0, %dma_wait3A] : memref<10240x16xf32, #tpu.memory_space<vmem_shared>> -> memref<640x16xf32, #tpu.memory_space<vmem_shared>>
      %dma_wait3A_15 = arith.constant 0 : i32
      %dma_wait3A_16 = tpu.memref_slice %arg4[%mul3A_0, %dma_wait3A_15] : memref<10240x16xf32, #tpu.memory_space<hbm>> -> memref<640x16xf32, #tpu.memory_space<hbm>>
      tpu.wait_dma2 semaphore(%run_scoped3A : memref<!tpu.dma_semaphore, #tpu.memory_space<semaphore_mem>>) src(%dma_wait3A_16 : memref<640x16xf32, #tpu.memory_space<hbm>>) dst(%dma_wait3A_14 : memref<640x16xf32, #tpu.memory_space<vmem_shared>>)
      tpu.yield
    }) : () -> ()
    "tpu.region"() ({
      %run_scoped3A = tpu.sem_alloc : memref<!tpu.dma_semaphore, #tpu.memory_space<semaphore_mem>>
      tpu.enqueue_dma source(%arg3 : memref<80x16xf32, #tpu.memory_space<hbm>>) target(%arg7 : memref<80x16xf32, #tpu.memory_space<vmem>>) target_semaphore(%run_scoped3A : memref<!tpu.dma_semaphore, #tpu.memory_space<semaphore_mem>>)
      tpu.wait_dma2 semaphore(%run_scoped3A : memref<!tpu.dma_semaphore, #tpu.memory_space<semaphore_mem>>) src(%arg3 : memref<80x16xf32, #tpu.memory_space<hbm>>) dst(%arg7 : memref<80x16xf32, #tpu.memory_space<vmem>>)
      tpu.yield
    }) : () -> ()
    %barrier3A = arith.constant 0 : index
    tpu.barrier barrier_id(%barrier3A)
    %mul3A_1 = arith.constant 16 : i32
    %mul3A_2 = arith.muli %arg0, %mul3A_1 : i32
    %add3A = arith.addi %mul3A_2, %arg1 : i32
    %mul3A_3 = arith.constant 10000 : i32
    %mul3A_4 = arith.muli %add3A, %mul3A_3 : i32
    %scan3A = arith.constant 0 : i32
    %scan3A_5 = arith.constant 0 : i32
    %scan3A_6 = arith.constant 125 : i32
    %scan3A_7 = arith.addi %scan3A_5, %scan3A_6 : i32
    %scan3A_8 = arith.constant 1 : i32
    scf.for %scan3A_11 = %scan3A_5 to %scan3A_7 step %scan3A_8  : i32 {
      %mul3A_12 = arith.constant 80 : i32
      %mul3A_13 = arith.muli %scan3A_11, %mul3A_12 : i32
      %add3A_14 = arith.addi %mul3A_4, %mul3A_13 : i32
      "tpu.region"() ({
        %run_scoped3A = tpu.sem_alloc : memref<!tpu.dma_semaphore, #tpu.memory_space<semaphore_mem>>
        %dma_start3A = tpu.memref_slice %arg2[%add3A_14] : memref<320000xi32, #tpu.memory_space<hbm>> -> memref<80xi32, #tpu.memory_space<hbm>>
        %dma_start3A_15 = tpu.memref_slice %arg2[%add3A_14] : memref<320000xi32, #tpu.memory_space<hbm>> -> memref<80xi32, #tpu.memory_space<hbm>>
        tpu.enqueue_dma source(%dma_start3A_15 : memref<80xi32, #tpu.memory_space<hbm>>) target(%arg6 : memref<80xi32, #tpu.memory_space<vmem>>) target_semaphore(%run_scoped3A : memref<!tpu.dma_semaphore, #tpu.memory_space<semaphore_mem>>)
        %dma_wait3A = tpu.memref_slice %arg2[%add3A_14] : memref<320000xi32, #tpu.memory_space<hbm>> -> memref<80xi32, #tpu.memory_space<hbm>>
        %dma_wait3A_16 = tpu.memref_slice %arg2[%add3A_14] : memref<320000xi32, #tpu.memory_space<hbm>> -> memref<80xi32, #tpu.memory_space<hbm>>
        tpu.wait_dma2 semaphore(%run_scoped3A : memref<!tpu.dma_semaphore, #tpu.memory_space<semaphore_mem>>) src(%dma_wait3A_16 : memref<80xi32, #tpu.memory_space<hbm>>) dst(%arg6 : memref<80xi32, #tpu.memory_space<vmem>>)
        tpu.yield
      }) : () -> ()
      "tpu.region"() ({
        %run_scoped3A = tpu.sem_alloc : memref<!tpu.dma_semaphore, #tpu.memory_space<semaphore_mem>>
        %dma_start3A = arith.constant 0 : i32
        %dma_start3A_15 = arith.constant 0 : i32
        %dma_start3A_16 = tpu.memref_slice %arg8[%dma_start3A, %dma_start3A_15] : memref<10240x16xf32, #tpu.memory_space<vmem_shared>> -> memref<10240x16xf32, #tpu.memory_space<vmem_shared>>
        tpu.enqueue_indirect_dma source(%arg7 : memref<80x16xf32, #tpu.memory_space<vmem>>) target(%dma_start3A_16 : memref<10240x16xf32, #tpu.memory_space<vmem_shared>>) offsets(%arg6 : memref<80xi32, #tpu.memory_space<vmem>>) semaphore(%run_scoped3A : memref<!tpu.dma_semaphore, #tpu.memory_space<semaphore_mem>>) {add = true}
        %dma_wait3A = arith.constant 0 : i32
        %dma_wait3A_17 = arith.constant 0 : i32
        %dma_wait3A_18 = tpu.memref_slice %arg8[%dma_wait3A, %dma_wait3A_17] : memref<10240x16xf32, #tpu.memory_space<vmem_shared>> -> memref<10240x16xf32, #tpu.memory_space<vmem_shared>>
        tpu.wait_indirect_dma semaphore(%run_scoped3A : memref<!tpu.dma_semaphore, #tpu.memory_space<semaphore_mem>>) src(%arg7 : memref<80x16xf32, #tpu.memory_space<vmem>>) dst(%dma_wait3A_18 : memref<10240x16xf32, #tpu.memory_space<vmem_shared>>)
        tpu.yield
      }) : () -> ()
    }
    %scan3A_9 = arith.constant 125 : i32
    %barrier3A_10 = arith.constant 0 : index
    tpu.barrier barrier_id(%barrier3A_10)
    "tpu.region"() ({
      %run_scoped3A = tpu.sem_alloc : memref<!tpu.dma_semaphore, #tpu.memory_space<semaphore_mem>>
      %dma_start3A = arith.constant 0 : i32
      %dma_start3A_11 = tpu.memref_slice %arg5[%arg0, %mul3A_0, %dma_start3A] : memref<2x10240x16xf32, #tpu.memory_space<hbm>> -> memref<1x640x16xf32, #tpu.memory_space<hbm>>
      %dma_start3A_12 = tpu.memref_squeeze %dma_start3A_11 : memref<1x640x16xf32, #tpu.memory_space<hbm>> -> memref<640x16xf32, #tpu.memory_space<hbm>>
      %dma_start3A_13 = arith.constant 0 : i32
      %dma_start3A_14 = tpu.memref_slice %arg8[%mul3A_0, %dma_start3A_13] : memref<10240x16xf32, #tpu.memory_space<vmem_shared>> -> memref<640x16xf32, #tpu.memory_space<vmem_shared>>
      tpu.enqueue_dma source(%dma_start3A_14 : memref<640x16xf32, #tpu.memory_space<vmem_shared>>) target(%dma_start3A_12 : memref<640x16xf32, #tpu.memory_space<hbm>>) target_semaphore(%run_scoped3A : memref<!tpu.dma_semaphore, #tpu.memory_space<semaphore_mem>>)
      %dma_wait3A = arith.constant 0 : i32
      %dma_wait3A_15 = tpu.memref_slice %arg5[%arg0, %mul3A_0, %dma_wait3A] : memref<2x10240x16xf32, #tpu.memory_space<hbm>> -> memref<1x640x16xf32, #tpu.memory_space<hbm>>
      %dma_wait3A_16 = tpu.memref_squeeze %dma_wait3A_15 : memref<1x640x16xf32, #tpu.memory_space<hbm>> -> memref<640x16xf32, #tpu.memory_space<hbm>>
      %dma_wait3A_17 = arith.constant 0 : i32
      %dma_wait3A_18 = tpu.memref_slice %arg8[%mul3A_0, %dma_wait3A_17] : memref<10240x16xf32, #tpu.memory_space<vmem_shared>> -> memref<640x16xf32, #tpu.memory_space<vmem_shared>>
      tpu.wait_dma2 semaphore(%run_scoped3A : memref<!tpu.dma_semaphore, #tpu.memory_space<semaphore_mem>>) src(%dma_wait3A_18 : memref<640x16xf32, #tpu.memory_space<vmem_shared>>) dst(%dma_wait3A_16 : memref<640x16xf32, #tpu.memory_space<hbm>>)
      tpu.yield
    }) : () -> ()
    return
  }
}

#map = affine_map<(d0, d1) -> (0, 0)>
#map1 = affine_map<(d0, d1) -> (0)>
#map2 = affine_map<(d0, d1) -> (0, 0, 0)>
module attributes {stable_mosaic.version = 14 : i64} {
  func.func @_propagate_body(%arg0: i32, %arg1: i32, %arg2: memref<10240x128xf32, #tpu.memory_space<hbm>>, %arg3: memref<320000xi32, #tpu.memory_space<hbm>>, %arg4: memref<320000xi32, #tpu.memory_space<hbm>>, %arg5: memref<2x10240x128xf32, #tpu.memory_space<hbm>>, %arg6: memref<80xi32, #tpu.memory_space<vmem>>, %arg7: memref<80xi32, #tpu.memory_space<vmem>>, %arg8: memref<80x128xf32, #tpu.memory_space<vmem>>, %arg9: memref<10240x128xf32, #tpu.memory_space<vmem_shared>>, %arg10: memref<!tpu.dma_semaphore, #tpu.memory_space<semaphore_mem>>) attributes {dimension_semantics = [#tpu.dimension_semantics<core_parallel>, #tpu.dimension_semantics<subcore_parallel>], iteration_bounds = array<i64: 2, 16>, scalar_prefetch = 0 : i64, scratch_operands = 5 : i64, tpu.core_type = #tpu.core_type<sc_vector_subcore>, window_params = [{transform_indices = #map}, {transform_indices = #map1}, {transform_indices = #map1}, {transform_indices = #map2}]} {
    %mul3A = arith.constant 640 : i32
    %mul3A_0 = arith.muli %arg1, %mul3A : i32
    "tpu.region"() ({
      %run_scoped3A = tpu.sem_alloc : memref<!tpu.dma_semaphore, #tpu.memory_space<semaphore_mem>>
      %dma_start3A = arith.constant 0 : i32
      %dma_start3A_11 = tpu.memref_slice %arg9[%mul3A_0, %dma_start3A] : memref<10240x128xf32, #tpu.memory_space<vmem_shared>> -> memref<640x128xf32, #tpu.memory_space<vmem_shared>>
      %dma_start3A_12 = arith.constant 0 : i32
      %dma_start3A_13 = tpu.memref_slice %arg2[%mul3A_0, %dma_start3A_12] : memref<10240x128xf32, #tpu.memory_space<hbm>> -> memref<640x128xf32, #tpu.memory_space<hbm>>
      tpu.enqueue_dma source(%dma_start3A_13 : memref<640x128xf32, #tpu.memory_space<hbm>>) target(%dma_start3A_11 : memref<640x128xf32, #tpu.memory_space<vmem_shared>>) target_semaphore(%run_scoped3A : memref<!tpu.dma_semaphore, #tpu.memory_space<semaphore_mem>>)
      %dma_wait3A = arith.constant 0 : i32
      %dma_wait3A_14 = tpu.memref_slice %arg9[%mul3A_0, %dma_wait3A] : memref<10240x128xf32, #tpu.memory_space<vmem_shared>> -> memref<640x128xf32, #tpu.memory_space<vmem_shared>>
      %dma_wait3A_15 = arith.constant 0 : i32
      %dma_wait3A_16 = tpu.memref_slice %arg2[%mul3A_0, %dma_wait3A_15] : memref<10240x128xf32, #tpu.memory_space<hbm>> -> memref<640x128xf32, #tpu.memory_space<hbm>>
      tpu.wait_dma2 semaphore(%run_scoped3A : memref<!tpu.dma_semaphore, #tpu.memory_space<semaphore_mem>>) src(%dma_wait3A_16 : memref<640x128xf32, #tpu.memory_space<hbm>>) dst(%dma_wait3A_14 : memref<640x128xf32, #tpu.memory_space<vmem_shared>>)
      tpu.yield
    }) : () -> ()
    %barrier3A = arith.constant 0 : index
    tpu.barrier barrier_id(%barrier3A)
    %mul3A_1 = arith.constant 16 : i32
    %mul3A_2 = arith.muli %arg0, %mul3A_1 : i32
    %add3A = arith.addi %mul3A_2, %arg1 : i32
    %mul3A_3 = arith.constant 10000 : i32
    %mul3A_4 = arith.muli %add3A, %mul3A_3 : i32
    %scan3A = arith.constant 0 : i32
    %scan3A_5 = arith.constant 0 : i32
    %scan3A_6 = arith.constant 125 : i32
    %scan3A_7 = arith.addi %scan3A_5, %scan3A_6 : i32
    %scan3A_8 = arith.constant 1 : i32
    scf.for %scan3A_11 = %scan3A_5 to %scan3A_7 step %scan3A_8  : i32 {
      %mul3A_12 = arith.constant 80 : i32
      %mul3A_13 = arith.muli %scan3A_11, %mul3A_12 : i32
      %add3A_14 = arith.addi %mul3A_4, %mul3A_13 : i32
      "tpu.region"() ({
        %run_scoped3A = tpu.sem_alloc : memref<!tpu.dma_semaphore, #tpu.memory_space<semaphore_mem>>
        %dma_start3A_19 = tpu.memref_slice %arg3[%add3A_14] : memref<320000xi32, #tpu.memory_space<hbm>> -> memref<80xi32, #tpu.memory_space<hbm>>
        %dma_start3A_20 = tpu.memref_slice %arg3[%add3A_14] : memref<320000xi32, #tpu.memory_space<hbm>> -> memref<80xi32, #tpu.memory_space<hbm>>
        tpu.enqueue_dma source(%dma_start3A_20 : memref<80xi32, #tpu.memory_space<hbm>>) target(%arg6 : memref<80xi32, #tpu.memory_space<vmem>>) target_semaphore(%run_scoped3A : memref<!tpu.dma_semaphore, #tpu.memory_space<semaphore_mem>>)
        %dma_wait3A_21 = tpu.memref_slice %arg3[%add3A_14] : memref<320000xi32, #tpu.memory_space<hbm>> -> memref<80xi32, #tpu.memory_space<hbm>>
        %dma_wait3A_22 = tpu.memref_slice %arg3[%add3A_14] : memref<320000xi32, #tpu.memory_space<hbm>> -> memref<80xi32, #tpu.memory_space<hbm>>
        tpu.wait_dma2 semaphore(%run_scoped3A : memref<!tpu.dma_semaphore, #tpu.memory_space<semaphore_mem>>) src(%dma_wait3A_22 : memref<80xi32, #tpu.memory_space<hbm>>) dst(%arg6 : memref<80xi32, #tpu.memory_space<vmem>>)
        tpu.yield
      }) : () -> ()
      %dma_start3A = arith.constant 0 : i32
      %dma_start3A_15 = arith.constant 0 : i32
      %dma_start3A_16 = tpu.memref_slice %arg2[%dma_start3A, %dma_start3A_15] : memref<10240x128xf32, #tpu.memory_space<hbm>> -> memref<10240x128xf32, #tpu.memory_space<hbm>>
      tpu.enqueue_indirect_dma source(%dma_start3A_16 : memref<10240x128xf32, #tpu.memory_space<hbm>>) target(%arg8 : memref<80x128xf32, #tpu.memory_space<vmem>>) offsets(%arg6 : memref<80xi32, #tpu.memory_space<vmem>>) semaphore(%arg10 : memref<!tpu.dma_semaphore, #tpu.memory_space<semaphore_mem>>)
      %dma_wait3A = arith.constant 0 : i32
      %dma_wait3A_17 = arith.constant 0 : i32
      %dma_wait3A_18 = tpu.memref_slice %arg2[%dma_wait3A, %dma_wait3A_17] : memref<10240x128xf32, #tpu.memory_space<hbm>> -> memref<10240x128xf32, #tpu.memory_space<hbm>>
      tpu.wait_indirect_dma semaphore(%arg10 : memref<!tpu.dma_semaphore, #tpu.memory_space<semaphore_mem>>) src(%dma_wait3A_18 : memref<10240x128xf32, #tpu.memory_space<hbm>>) dst(%arg8 : memref<80x128xf32, #tpu.memory_space<vmem>>)
      "tpu.region"() ({
        %run_scoped3A = tpu.sem_alloc : memref<!tpu.dma_semaphore, #tpu.memory_space<semaphore_mem>>
        %dma_start3A_19 = tpu.memref_slice %arg4[%add3A_14] : memref<320000xi32, #tpu.memory_space<hbm>> -> memref<80xi32, #tpu.memory_space<hbm>>
        %dma_start3A_20 = tpu.memref_slice %arg4[%add3A_14] : memref<320000xi32, #tpu.memory_space<hbm>> -> memref<80xi32, #tpu.memory_space<hbm>>
        tpu.enqueue_dma source(%dma_start3A_20 : memref<80xi32, #tpu.memory_space<hbm>>) target(%arg7 : memref<80xi32, #tpu.memory_space<vmem>>) target_semaphore(%run_scoped3A : memref<!tpu.dma_semaphore, #tpu.memory_space<semaphore_mem>>)
        %dma_wait3A_21 = tpu.memref_slice %arg4[%add3A_14] : memref<320000xi32, #tpu.memory_space<hbm>> -> memref<80xi32, #tpu.memory_space<hbm>>
        %dma_wait3A_22 = tpu.memref_slice %arg4[%add3A_14] : memref<320000xi32, #tpu.memory_space<hbm>> -> memref<80xi32, #tpu.memory_space<hbm>>
        tpu.wait_dma2 semaphore(%run_scoped3A : memref<!tpu.dma_semaphore, #tpu.memory_space<semaphore_mem>>) src(%dma_wait3A_22 : memref<80xi32, #tpu.memory_space<hbm>>) dst(%arg7 : memref<80xi32, #tpu.memory_space<vmem>>)
        tpu.yield
      }) : () -> ()
      "tpu.region"() ({
        %run_scoped3A = tpu.sem_alloc : memref<!tpu.dma_semaphore, #tpu.memory_space<semaphore_mem>>
        %dma_start3A_19 = arith.constant 0 : i32
        %dma_start3A_20 = arith.constant 0 : i32
        %dma_start3A_21 = tpu.memref_slice %arg9[%dma_start3A_19, %dma_start3A_20] : memref<10240x128xf32, #tpu.memory_space<vmem_shared>> -> memref<10240x128xf32, #tpu.memory_space<vmem_shared>>
        tpu.enqueue_indirect_dma source(%arg8 : memref<80x128xf32, #tpu.memory_space<vmem>>) target(%dma_start3A_21 : memref<10240x128xf32, #tpu.memory_space<vmem_shared>>) offsets(%arg7 : memref<80xi32, #tpu.memory_space<vmem>>) semaphore(%run_scoped3A : memref<!tpu.dma_semaphore, #tpu.memory_space<semaphore_mem>>) {add = true}
        %dma_wait3A_22 = arith.constant 0 : i32
        %dma_wait3A_23 = arith.constant 0 : i32
        %dma_wait3A_24 = tpu.memref_slice %arg9[%dma_wait3A_22, %dma_wait3A_23] : memref<10240x128xf32, #tpu.memory_space<vmem_shared>> -> memref<10240x128xf32, #tpu.memory_space<vmem_shared>>
        tpu.wait_indirect_dma semaphore(%run_scoped3A : memref<!tpu.dma_semaphore, #tpu.memory_space<semaphore_mem>>) src(%arg8 : memref<80x128xf32, #tpu.memory_space<vmem>>) dst(%dma_wait3A_24 : memref<10240x128xf32, #tpu.memory_space<vmem_shared>>)
        tpu.yield
      }) : () -> ()
    }
    %scan3A_9 = arith.constant 125 : i32
    %barrier3A_10 = arith.constant 0 : index
    tpu.barrier barrier_id(%barrier3A_10)
    "tpu.region"() ({
      %run_scoped3A = tpu.sem_alloc : memref<!tpu.dma_semaphore, #tpu.memory_space<semaphore_mem>>
      %dma_start3A = arith.constant 0 : i32
      %dma_start3A_11 = tpu.memref_slice %arg5[%arg0, %mul3A_0, %dma_start3A] : memref<2x10240x128xf32, #tpu.memory_space<hbm>> -> memref<1x640x128xf32, #tpu.memory_space<hbm>>
      %dma_start3A_12 = tpu.memref_squeeze %dma_start3A_11 : memref<1x640x128xf32, #tpu.memory_space<hbm>> -> memref<640x128xf32, #tpu.memory_space<hbm>>
      %dma_start3A_13 = arith.constant 0 : i32
      %dma_start3A_14 = tpu.memref_slice %arg9[%mul3A_0, %dma_start3A_13] : memref<10240x128xf32, #tpu.memory_space<vmem_shared>> -> memref<640x128xf32, #tpu.memory_space<vmem_shared>>
      tpu.enqueue_dma source(%dma_start3A_14 : memref<640x128xf32, #tpu.memory_space<vmem_shared>>) target(%dma_start3A_12 : memref<640x128xf32, #tpu.memory_space<hbm>>) target_semaphore(%run_scoped3A : memref<!tpu.dma_semaphore, #tpu.memory_space<semaphore_mem>>)
      %dma_wait3A = arith.constant 0 : i32
      %dma_wait3A_15 = tpu.memref_slice %arg5[%arg0, %mul3A_0, %dma_wait3A] : memref<2x10240x128xf32, #tpu.memory_space<hbm>> -> memref<1x640x128xf32, #tpu.memory_space<hbm>>
      %dma_wait3A_16 = tpu.memref_squeeze %dma_wait3A_15 : memref<1x640x128xf32, #tpu.memory_space<hbm>> -> memref<640x128xf32, #tpu.memory_space<hbm>>
      %dma_wait3A_17 = arith.constant 0 : i32
      %dma_wait3A_18 = tpu.memref_slice %arg9[%mul3A_0, %dma_wait3A_17] : memref<10240x128xf32, #tpu.memory_space<vmem_shared>> -> memref<640x128xf32, #tpu.memory_space<vmem_shared>>
      tpu.wait_dma2 semaphore(%run_scoped3A : memref<!tpu.dma_semaphore, #tpu.memory_space<semaphore_mem>>) src(%dma_wait3A_18 : memref<640x128xf32, #tpu.memory_space<vmem_shared>>) dst(%dma_wait3A_16 : memref<640x128xf32, #tpu.memory_space<hbm>>)
      tpu.yield
    }) : () -> ()
    return
  }
}

#map = affine_map<(d0, d1) -> (0, 0)>
#map1 = affine_map<(d0, d1) -> (0)>
#map2 = affine_map<(d0, d1) -> (0, 0, 0)>
module attributes {stable_mosaic.version = 14 : i64} {
  func.func @_propagate_body(%arg0: i32, %arg1: i32, %arg2: memref<10240x128xf32, #tpu.memory_space<hbm>>, %arg3: memref<320000xi32, #tpu.memory_space<hbm>>, %arg4: memref<320000xi32, #tpu.memory_space<hbm>>, %arg5: memref<2x10240x128xf32, #tpu.memory_space<hbm>>, %arg6: memref<80xi32, #tpu.memory_space<vmem>>, %arg7: memref<80xi32, #tpu.memory_space<vmem>>, %arg8: memref<80x128xf32, #tpu.memory_space<vmem>>, %arg9: memref<10240x128xf32, #tpu.memory_space<vmem_shared>>, %arg10: memref<!tpu.dma_semaphore, #tpu.memory_space<semaphore_mem>>) attributes {dimension_semantics = [#tpu.dimension_semantics<core_parallel>, #tpu.dimension_semantics<subcore_parallel>], iteration_bounds = array<i64: 2, 16>, scalar_prefetch = 0 : i64, scratch_operands = 5 : i64, tpu.core_type = #tpu.core_type<sc_vector_subcore>, window_params = [{transform_indices = #map}, {transform_indices = #map1}, {transform_indices = #map1}, {transform_indices = #map2}]} {
    %mul3A = arith.constant 640 : i32
    %mul3A_0 = arith.muli %arg1, %mul3A : i32
    "tpu.region"() ({
      %run_scoped3A = tpu.sem_alloc : memref<!tpu.dma_semaphore, #tpu.memory_space<semaphore_mem>>
      %dma_start3A = arith.constant 0 : i32
      %dma_start3A_11 = tpu.memref_slice %arg9[%mul3A_0, %dma_start3A] : memref<10240x128xf32, #tpu.memory_space<vmem_shared>> -> memref<640x128xf32, #tpu.memory_space<vmem_shared>>
      %dma_start3A_12 = arith.constant 0 : i32
      %dma_start3A_13 = tpu.memref_slice %arg2[%mul3A_0, %dma_start3A_12] : memref<10240x128xf32, #tpu.memory_space<hbm>> -> memref<640x128xf32, #tpu.memory_space<hbm>>
      tpu.enqueue_dma source(%dma_start3A_13 : memref<640x128xf32, #tpu.memory_space<hbm>>) target(%dma_start3A_11 : memref<640x128xf32, #tpu.memory_space<vmem_shared>>) target_semaphore(%run_scoped3A : memref<!tpu.dma_semaphore, #tpu.memory_space<semaphore_mem>>)
      %dma_wait3A = arith.constant 0 : i32
      %dma_wait3A_14 = tpu.memref_slice %arg9[%mul3A_0, %dma_wait3A] : memref<10240x128xf32, #tpu.memory_space<vmem_shared>> -> memref<640x128xf32, #tpu.memory_space<vmem_shared>>
      %dma_wait3A_15 = arith.constant 0 : i32
      %dma_wait3A_16 = tpu.memref_slice %arg2[%mul3A_0, %dma_wait3A_15] : memref<10240x128xf32, #tpu.memory_space<hbm>> -> memref<640x128xf32, #tpu.memory_space<hbm>>
      tpu.wait_dma2 semaphore(%run_scoped3A : memref<!tpu.dma_semaphore, #tpu.memory_space<semaphore_mem>>) src(%dma_wait3A_16 : memref<640x128xf32, #tpu.memory_space<hbm>>) dst(%dma_wait3A_14 : memref<640x128xf32, #tpu.memory_space<vmem_shared>>)
      tpu.yield
    }) : () -> ()
    %barrier3A = arith.constant 0 : index
    tpu.barrier barrier_id(%barrier3A)
    %mul3A_1 = arith.constant 16 : i32
    %mul3A_2 = arith.muli %arg0, %mul3A_1 : i32
    %add3A = arith.addi %mul3A_2, %arg1 : i32
    %mul3A_3 = arith.constant 10000 : i32
    %mul3A_4 = arith.muli %add3A, %mul3A_3 : i32
    %scan3A = arith.constant 0 : i32
    %scan3A_5 = arith.constant 0 : i32
    %scan3A_6 = arith.constant 125 : i32
    %scan3A_7 = arith.addi %scan3A_5, %scan3A_6 : i32
    %scan3A_8 = arith.constant 1 : i32
    scf.for %scan3A_11 = %scan3A_5 to %scan3A_7 step %scan3A_8  : i32 {
      %mul3A_12 = arith.constant 80 : i32
      %mul3A_13 = arith.muli %scan3A_11, %mul3A_12 : i32
      %add3A_14 = arith.addi %mul3A_4, %mul3A_13 : i32
      "tpu.region"() ({
        %run_scoped3A = tpu.sem_alloc : memref<!tpu.dma_semaphore, #tpu.memory_space<semaphore_mem>>
        %dma_start3A_19 = tpu.memref_slice %arg3[%add3A_14] : memref<320000xi32, #tpu.memory_space<hbm>> -> memref<80xi32, #tpu.memory_space<hbm>>
        %dma_start3A_20 = tpu.memref_slice %arg3[%add3A_14] : memref<320000xi32, #tpu.memory_space<hbm>> -> memref<80xi32, #tpu.memory_space<hbm>>
        tpu.enqueue_dma source(%dma_start3A_20 : memref<80xi32, #tpu.memory_space<hbm>>) target(%arg6 : memref<80xi32, #tpu.memory_space<vmem>>) target_semaphore(%run_scoped3A : memref<!tpu.dma_semaphore, #tpu.memory_space<semaphore_mem>>)
        %dma_wait3A_21 = tpu.memref_slice %arg3[%add3A_14] : memref<320000xi32, #tpu.memory_space<hbm>> -> memref<80xi32, #tpu.memory_space<hbm>>
        %dma_wait3A_22 = tpu.memref_slice %arg3[%add3A_14] : memref<320000xi32, #tpu.memory_space<hbm>> -> memref<80xi32, #tpu.memory_space<hbm>>
        tpu.wait_dma2 semaphore(%run_scoped3A : memref<!tpu.dma_semaphore, #tpu.memory_space<semaphore_mem>>) src(%dma_wait3A_22 : memref<80xi32, #tpu.memory_space<hbm>>) dst(%arg6 : memref<80xi32, #tpu.memory_space<vmem>>)
        tpu.yield
      }) : () -> ()
      %dma_start3A = arith.constant 0 : i32
      %dma_start3A_15 = arith.constant 0 : i32
      %dma_start3A_16 = tpu.memref_slice %arg2[%dma_start3A, %dma_start3A_15] : memref<10240x128xf32, #tpu.memory_space<hbm>> -> memref<10240x128xf32, #tpu.memory_space<hbm>>
      tpu.enqueue_indirect_dma source(%dma_start3A_16 : memref<10240x128xf32, #tpu.memory_space<hbm>>) target(%arg8 : memref<80x128xf32, #tpu.memory_space<vmem>>) offsets(%arg6 : memref<80xi32, #tpu.memory_space<vmem>>) semaphore(%arg10 : memref<!tpu.dma_semaphore, #tpu.memory_space<semaphore_mem>>)
      %dma_wait3A = arith.constant 0 : i32
      %dma_wait3A_17 = arith.constant 0 : i32
      %dma_wait3A_18 = tpu.memref_slice %arg2[%dma_wait3A, %dma_wait3A_17] : memref<10240x128xf32, #tpu.memory_space<hbm>> -> memref<10240x128xf32, #tpu.memory_space<hbm>>
      tpu.wait_indirect_dma semaphore(%arg10 : memref<!tpu.dma_semaphore, #tpu.memory_space<semaphore_mem>>) src(%dma_wait3A_18 : memref<10240x128xf32, #tpu.memory_space<hbm>>) dst(%arg8 : memref<80x128xf32, #tpu.memory_space<vmem>>)
      "tpu.region"() ({
        %run_scoped3A = tpu.sem_alloc : memref<!tpu.dma_semaphore, #tpu.memory_space<semaphore_mem>>
        %dma_start3A_19 = tpu.memref_slice %arg4[%add3A_14] : memref<320000xi32, #tpu.memory_space<hbm>> -> memref<80xi32, #tpu.memory_space<hbm>>
        %dma_start3A_20 = tpu.memref_slice %arg4[%add3A_14] : memref<320000xi32, #tpu.memory_space<hbm>> -> memref<80xi32, #tpu.memory_space<hbm>>
        tpu.enqueue_dma source(%dma_start3A_20 : memref<80xi32, #tpu.memory_space<hbm>>) target(%arg7 : memref<80xi32, #tpu.memory_space<vmem>>) target_semaphore(%run_scoped3A : memref<!tpu.dma_semaphore, #tpu.memory_space<semaphore_mem>>)
        %dma_wait3A_21 = tpu.memref_slice %arg4[%add3A_14] : memref<320000xi32, #tpu.memory_space<hbm>> -> memref<80xi32, #tpu.memory_space<hbm>>
        %dma_wait3A_22 = tpu.memref_slice %arg4[%add3A_14] : memref<320000xi32, #tpu.memory_space<hbm>> -> memref<80xi32, #tpu.memory_space<hbm>>
        tpu.wait_dma2 semaphore(%run_scoped3A : memref<!tpu.dma_semaphore, #tpu.memory_space<semaphore_mem>>) src(%dma_wait3A_22 : memref<80xi32, #tpu.memory_space<hbm>>) dst(%arg7 : memref<80xi32, #tpu.memory_space<vmem>>)
        tpu.yield
      }) : () -> ()
      "tpu.region"() ({
        %run_scoped3A = tpu.sem_alloc : memref<!tpu.dma_semaphore, #tpu.memory_space<semaphore_mem>>
        %dma_start3A_19 = arith.constant 0 : i32
        %dma_start3A_20 = arith.constant 0 : i32
        %dma_start3A_21 = tpu.memref_slice %arg9[%dma_start3A_19, %dma_start3A_20] : memref<10240x128xf32, #tpu.memory_space<vmem_shared>> -> memref<10240x128xf32, #tpu.memory_space<vmem_shared>>
        tpu.enqueue_indirect_dma source(%arg8 : memref<80x128xf32, #tpu.memory_space<vmem>>) target(%dma_start3A_21 : memref<10240x128xf32, #tpu.memory_space<vmem_shared>>) offsets(%arg7 : memref<80xi32, #tpu.memory_space<vmem>>) semaphore(%run_scoped3A : memref<!tpu.dma_semaphore, #tpu.memory_space<semaphore_mem>>) {add = true}
        %dma_wait3A_22 = arith.constant 0 : i32
        %dma_wait3A_23 = arith.constant 0 : i32
        %dma_wait3A_24 = tpu.memref_slice %arg9[%dma_wait3A_22, %dma_wait3A_23] : memref<10240x128xf32, #tpu.memory_space<vmem_shared>> -> memref<10240x128xf32, #tpu.memory_space<vmem_shared>>
        tpu.wait_indirect_dma semaphore(%run_scoped3A : memref<!tpu.dma_semaphore, #tpu.memory_space<semaphore_mem>>) src(%arg8 : memref<80x128xf32, #tpu.memory_space<vmem>>) dst(%dma_wait3A_24 : memref<10240x128xf32, #tpu.memory_space<vmem_shared>>)
        tpu.yield
      }) : () -> ()
    }
    %scan3A_9 = arith.constant 125 : i32
    %barrier3A_10 = arith.constant 0 : index
    tpu.barrier barrier_id(%barrier3A_10)
    "tpu.region"() ({
      %run_scoped3A = tpu.sem_alloc : memref<!tpu.dma_semaphore, #tpu.memory_space<semaphore_mem>>
      %dma_start3A = arith.constant 0 : i32
      %dma_start3A_11 = tpu.memref_slice %arg5[%arg0, %mul3A_0, %dma_start3A] : memref<2x10240x128xf32, #tpu.memory_space<hbm>> -> memref<1x640x128xf32, #tpu.memory_space<hbm>>
      %dma_start3A_12 = tpu.memref_squeeze %dma_start3A_11 : memref<1x640x128xf32, #tpu.memory_space<hbm>> -> memref<640x128xf32, #tpu.memory_space<hbm>>
      %dma_start3A_13 = arith.constant 0 : i32
      %dma_start3A_14 = tpu.memref_slice %arg9[%mul3A_0, %dma_start3A_13] : memref<10240x128xf32, #tpu.memory_space<vmem_shared>> -> memref<640x128xf32, #tpu.memory_space<vmem_shared>>
      tpu.enqueue_dma source(%dma_start3A_14 : memref<640x128xf32, #tpu.memory_space<vmem_shared>>) target(%dma_start3A_12 : memref<640x128xf32, #tpu.memory_space<hbm>>) target_semaphore(%run_scoped3A : memref<!tpu.dma_semaphore, #tpu.memory_space<semaphore_mem>>)
      %dma_wait3A = arith.constant 0 : i32
      %dma_wait3A_15 = tpu.memref_slice %arg5[%arg0, %mul3A_0, %dma_wait3A] : memref<2x10240x128xf32, #tpu.memory_space<hbm>> -> memref<1x640x128xf32, #tpu.memory_space<hbm>>
      %dma_wait3A_16 = tpu.memref_squeeze %dma_wait3A_15 : memref<1x640x128xf32, #tpu.memory_space<hbm>> -> memref<640x128xf32, #tpu.memory_space<hbm>>
      %dma_wait3A_17 = arith.constant 0 : i32
      %dma_wait3A_18 = tpu.memref_slice %arg9[%mul3A_0, %dma_wait3A_17] : memref<10240x128xf32, #tpu.memory_space<vmem_shared>> -> memref<640x128xf32, #tpu.memory_space<vmem_shared>>
      tpu.wait_dma2 semaphore(%run_scoped3A : memref<!tpu.dma_semaphore, #tpu.memory_space<semaphore_mem>>) src(%dma_wait3A_18 : memref<640x128xf32, #tpu.memory_space<vmem_shared>>) dst(%dma_wait3A_16 : memref<640x128xf32, #tpu.memory_space<hbm>>)
      tpu.yield
    }) : () -> ()
    return
  }
}

module attributes {stable_mosaic.version = 14 : i64} {
  func.func @_emb_mm_body(%arg0: memref<10000x128xf32, #tpu.memory_space<vmem>>, %arg1: memref<128x128xf32, #tpu.memory_space<vmem>>, %arg2: memref<1x128xf32, #tpu.memory_space<vmem>>, %arg3: memref<128x128xf32, #tpu.memory_space<vmem>>, %arg4: memref<10240x1xf32, #tpu.memory_space<vmem>>, %arg5: memref<10240x128xf32, #tpu.memory_space<vmem>>) attributes {dimension_semantics = [], scalar_prefetch = 0 : i64, scratch_operands = 0 : i64, tpu.core_type = #tpu.core_type<tc>} {
    %get3A = arith.constant 0 : index
    %get3A_0 = arith.constant 0 : index
    %get3A_1 = vector.load %arg0[%get3A, %get3A_0] : memref<10000x128xf32, #tpu.memory_space<vmem>>, vector<10000x128xf32>
    %get3A_2 = arith.constant 0 : index
    %get3A_3 = arith.constant 0 : index
    %get3A_4 = vector.load %arg1[%get3A_2, %get3A_3] : memref<128x128xf32, #tpu.memory_space<vmem>>, vector<128x128xf32>
    %dot_general3A = arith.constant dense<0.000000e+00> : vector<10000x128xf32>
    %dot_general3A_5 = tpu.matmul %get3A_1, %get3A_4, %dot_general3A {dimension_numbers = #tpu.dot_dimension_numbers<[1], [0], [0], [1], [0, 0, 1, 1], [], []>, transpose_lhs_hint = false} : vector<10000x128xf32>, vector<128x128xf32>, vector<10000x128xf32> -> vector<10000x128xf32>
    %get3A_6 = arith.constant 0 : index
    %get3A_7 = arith.constant 0 : index
    %get3A_8 = vector.load %arg2[%get3A_6, %get3A_7] : memref<1x128xf32, #tpu.memory_space<vmem>>, vector<1x128xf32>
    %add3A = vector.broadcast %get3A_8 : vector<1x128xf32> to vector<10000x128xf32>
    %add3A_9 = arith.addf %dot_general3A_5, %add3A : vector<10000x128xf32>
    %get3A_10 = arith.constant 0 : index
    %get3A_11 = arith.constant 0 : index
    %get3A_12 = vector.load %arg3[%get3A_10, %get3A_11] : memref<128x128xf32, #tpu.memory_space<vmem>>, vector<128x128xf32>
    %dot_general3A_13 = arith.constant dense<0.000000e+00> : vector<10000x128xf32>
    %dot_general3A_14 = tpu.matmul %add3A_9, %get3A_12, %dot_general3A_13 {dimension_numbers = #tpu.dot_dimension_numbers<[1], [0], [0], [1], [0, 0, 1, 1], [], []>, transpose_lhs_hint = false} : vector<10000x128xf32>, vector<128x128xf32>, vector<10000x128xf32> -> vector<10000x128xf32>
    %get3A_15 = arith.constant 0 : index
    %get3A_16 = arith.constant 0 : index
    %get3A_17 = vector.load %arg4[%get3A_15, %get3A_16] : memref<10240x1xf32, #tpu.memory_space<vmem>>, vector<10000x1xf32>
    %mul3A = vector.broadcast %get3A_17 : vector<10000x1xf32> to vector<10000x128xf32>
    %mul3A_18 = arith.mulf %dot_general3A_14, %mul3A : vector<10000x128xf32>
    %swap3A = arith.constant 0 : index
    %swap3A_19 = arith.constant 0 : index
    %swap3A_20 = vector.load %arg5[%swap3A, %swap3A_19] : memref<10240x128xf32, #tpu.memory_space<vmem>>, vector<10000x128xf32>
    tpu.vector_store %arg5[%swap3A, %swap3A_19], %mul3A_18 {strides = array<i32>} : memref<10240x128xf32, #tpu.memory_space<vmem>>, vector<10000x128xf32>,
    %broadcast_in_dim3A = arith.constant 0.000000e+00 : f32
    %broadcast_in_dim3A_21 = vector.broadcast %broadcast_in_dim3A : f32 to vector<240x128xf32>
    %swap3A_22 = arith.constant 10000 : index
    %swap3A_23 = arith.constant 0 : index
    %swap3A_24 = vector.load %arg5[%swap3A_22, %swap3A_23] : memref<10240x128xf32, #tpu.memory_space<vmem>>, vector<240x128xf32>
    tpu.vector_store %arg5[%swap3A_22, %swap3A_23], %broadcast_in_dim3A_21 {strides = array<i32>} : memref<10240x128xf32, #tpu.memory_space<vmem>>, vector<240x128xf32>,
    return
  }
}

module attributes {stable_mosaic.version = 14 : i64} {
  func.func @_dinv_body(%arg0: memref<2x10240x16xf32, #tpu.memory_space<vmem>>, %arg1: memref<10240x1xf32, #tpu.memory_space<vmem>>) attributes {dimension_semantics = [], scalar_prefetch = 0 : i64, scratch_operands = 0 : i64, tpu.core_type = #tpu.core_type<tc>} {
    %get3A = arith.constant 0 : index
    %get3A_0 = arith.constant 0 : index
    %get3A_1 = arith.constant 0 : index
    %get3A_2 = vector.load %arg0[%get3A, %get3A_0, %get3A_1] : memref<2x10240x16xf32, #tpu.memory_space<vmem>>, vector<1x10240x1xf32>
    %get3A_3 = vector.shape_cast %get3A_2 : vector<1x10240x1xf32> to vector<10240x1xf32>
    %get3A_4 = arith.constant 1 : index
    %get3A_5 = arith.constant 0 : index
    %get3A_6 = arith.constant 0 : index
    %get3A_7 = vector.load %arg0[%get3A_4, %get3A_5, %get3A_6] : memref<2x10240x16xf32, #tpu.memory_space<vmem>>, vector<1x10240x1xf32>
    %get3A_8 = vector.shape_cast %get3A_7 : vector<1x10240x1xf32> to vector<10240x1xf32>
    %add3A = arith.addf %get3A_3, %get3A_8 : vector<10240x1xf32>
    %add3A_9 = arith.constant 1.000000e+00 : f32
    %add3A_10 = vector.broadcast %add3A_9 : f32 to vector<10240x1xf32>
    %add3A_11 = arith.addf %add3A, %add3A_10 : vector<10240x1xf32>
    %rsqrt3A = math.rsqrt %add3A_11 : vector<10240x1xf32>
    %swap3A = arith.constant 0 : index
    %swap3A_12 = arith.constant 0 : index
    %swap3A_13 = vector.load %arg1[%swap3A, %swap3A_12] : memref<10240x1xf32, #tpu.memory_space<vmem>>, vector<10240x1xf32>
    tpu.vector_store %arg1[%swap3A, %swap3A_12], %rsqrt3A {strides = array<i32>} : memref<10240x1xf32, #tpu.memory_space<vmem>>, vector<10240x1xf32>,
    return
  }
}

module attributes {stable_mosaic.version = 14 : i64} {
  func.func @_combine_bn_body(%arg0: memref<2x10240x128xf32, #tpu.memory_space<vmem>>, %arg1: memref<10240x128xf32, #tpu.memory_space<vmem>>, %arg2: memref<10240x1xf32, #tpu.memory_space<vmem>>, %arg3: memref<1x128xf32, #tpu.memory_space<vmem>>, %arg4: memref<1x128xf32, #tpu.memory_space<vmem>>, %arg5: memref<1x128xf32, #tpu.memory_space<vmem>>, %arg6: memref<10000x128xf32, #tpu.memory_space<vmem>>) attributes {dimension_semantics = [], scalar_prefetch = 0 : i64, scratch_operands = 0 : i64, tpu.core_type = #tpu.core_type<tc>} {
    %get3A = arith.constant 0 : index
    %get3A_0 = arith.constant 0 : index
    %get3A_1 = arith.constant 0 : index
    %get3A_2 = vector.load %arg0[%get3A, %get3A_0, %get3A_1] : memref<2x10240x128xf32, #tpu.memory_space<vmem>>, vector<1x10000x128xf32>
    %get3A_3 = vector.shape_cast %get3A_2 : vector<1x10000x128xf32> to vector<10000x128xf32>
    %get3A_4 = arith.constant 1 : index
    %get3A_5 = arith.constant 0 : index
    %get3A_6 = arith.constant 0 : index
    %get3A_7 = vector.load %arg0[%get3A_4, %get3A_5, %get3A_6] : memref<2x10240x128xf32, #tpu.memory_space<vmem>>, vector<1x10000x128xf32>
    %get3A_8 = vector.shape_cast %get3A_7 : vector<1x10000x128xf32> to vector<10000x128xf32>
    %add3A = arith.addf %get3A_3, %get3A_8 : vector<10000x128xf32>
    %get3A_9 = arith.constant 0 : index
    %get3A_10 = arith.constant 0 : index
    %get3A_11 = vector.load %arg1[%get3A_9, %get3A_10] : memref<10240x128xf32, #tpu.memory_space<vmem>>, vector<10000x128xf32>
    %sub3A = arith.subf %add3A, %get3A_11 : vector<10000x128xf32>
    %get3A_12 = arith.constant 0 : index
    %get3A_13 = arith.constant 0 : index
    %get3A_14 = vector.load %arg2[%get3A_12, %get3A_13] : memref<10240x1xf32, #tpu.memory_space<vmem>>, vector<10000x1xf32>
    %mul3A = vector.broadcast %get3A_14 : vector<10000x1xf32> to vector<10000x128xf32>
    %mul3A_15 = arith.mulf %sub3A, %mul3A : vector<10000x128xf32>
    %get3A_16 = arith.constant 0 : index
    %get3A_17 = arith.constant 0 : index
    %get3A_18 = vector.load %arg3[%get3A_16, %get3A_17] : memref<1x128xf32, #tpu.memory_space<vmem>>, vector<1x128xf32>
    %add3A_19 = vector.broadcast %get3A_18 : vector<1x128xf32> to vector<10000x128xf32>
    %add3A_20 = arith.addf %mul3A_15, %add3A_19 : vector<10000x128xf32>
    %reduce_sum3A = arith.constant dense<0.000000e+00> : vector<128xf32>
    %reduce_sum3A_21 = vector.multi_reduction <add>, %add3A_20, %reduce_sum3A [0] : vector<10000x128xf32> to vector<128xf32>
    %broadcast_in_dim3A = vector.shape_cast %reduce_sum3A_21 : vector<128xf32> to vector<1x128xf32>
    %div3A = arith.constant 1.000000e+04 : f32
    %div3A_22 = vector.broadcast %div3A : f32 to vector<1x128xf32>
    %div3A_23 = arith.divf %broadcast_in_dim3A, %div3A_22 : vector<1x128xf32>
    %sub3A_24 = vector.broadcast %div3A_23 : vector<1x128xf32> to vector<10000x128xf32>
    %sub3A_25 = arith.subf %add3A_20, %sub3A_24 : vector<10000x128xf32>
    %mul3A_26 = arith.mulf %sub3A_25, %sub3A_25 : vector<10000x128xf32>
    %reduce_sum3A_27 = arith.constant dense<0.000000e+00> : vector<128xf32>
    %reduce_sum3A_28 = vector.multi_reduction <add>, %mul3A_26, %reduce_sum3A_27 [0] : vector<10000x128xf32> to vector<128xf32>
    %broadcast_in_dim3A_29 = vector.shape_cast %reduce_sum3A_28 : vector<128xf32> to vector<1x128xf32>
    %div3A_30 = arith.constant 1.000000e+04 : f32
    %div3A_31 = vector.broadcast %div3A_30 : f32 to vector<1x128xf32>
    %div3A_32 = arith.divf %broadcast_in_dim3A_29, %div3A_31 : vector<1x128xf32>
    %add3A_33 = arith.constant 9.99999974E-6 : f32
    %add3A_34 = vector.broadcast %add3A_33 : f32 to vector<1x128xf32>
    %add3A_35 = arith.addf %div3A_32, %add3A_34 : vector<1x128xf32>
    %rsqrt3A = math.rsqrt %add3A_35 : vector<1x128xf32>
    %mul3A_36 = vector.broadcast %rsqrt3A : vector<1x128xf32> to vector<10000x128xf32>
    %mul3A_37 = arith.mulf %sub3A_25, %mul3A_36 : vector<10000x128xf32>
    %get3A_38 = arith.constant 0 : index
    %get3A_39 = arith.constant 0 : index
    %get3A_40 = vector.load %arg4[%get3A_38, %get3A_39] : memref<1x128xf32, #tpu.memory_space<vmem>>, vector<1x128xf32>
    %mul3A_41 = vector.broadcast %get3A_40 : vector<1x128xf32> to vector<10000x128xf32>
    %mul3A_42 = arith.mulf %mul3A_37, %mul3A_41 : vector<10000x128xf32>
    %get3A_43 = arith.constant 0 : index
    %get3A_44 = arith.constant 0 : index
    %get3A_45 = vector.load %arg5[%get3A_43, %get3A_44] : memref<1x128xf32, #tpu.memory_space<vmem>>, vector<1x128xf32>
    %add3A_46 = vector.broadcast %get3A_45 : vector<1x128xf32> to vector<10000x128xf32>
    %add3A_47 = arith.addf %mul3A_42, %add3A_46 : vector<10000x128xf32>
    %max3A = arith.constant 0.000000e+00 : f32
    %max3A_48 = vector.broadcast %max3A : f32 to vector<10000x128xf32>
    %max3A_49 = arith.maximumf %add3A_47, %max3A_48 : vector<10000x128xf32>
    %swap3A = arith.constant 0 : index
    %swap3A_50 = arith.constant 0 : index
    %swap3A_51 = vector.load %arg6[%swap3A, %swap3A_50] : memref<10000x128xf32, #tpu.memory_space<vmem>>, vector<10000x128xf32>
    tpu.vector_store %arg6[%swap3A, %swap3A_50], %max3A_49 {strides = array<i32>} : memref<10000x128xf32, #tpu.memory_space<vmem>>, vector<10000x128xf32>,
    return
  }
}

module attributes {stable_mosaic.version = 14 : i64} {
  func.func @_mm_scale_body(%arg0: memref<10000x128xf32, #tpu.memory_space<vmem>>, %arg1: memref<128x128xf32, #tpu.memory_space<vmem>>, %arg2: memref<10240x1xf32, #tpu.memory_space<vmem>>, %arg3: memref<10240x128xf32, #tpu.memory_space<vmem>>) attributes {dimension_semantics = [], scalar_prefetch = 0 : i64, scratch_operands = 0 : i64, tpu.core_type = #tpu.core_type<tc>} {
    %get3A = arith.constant 0 : index
    %get3A_0 = arith.constant 0 : index
    %get3A_1 = vector.load %arg0[%get3A, %get3A_0] : memref<10000x128xf32, #tpu.memory_space<vmem>>, vector<10000x128xf32>
    %get3A_2 = arith.constant 0 : index
    %get3A_3 = arith.constant 0 : index
    %get3A_4 = vector.load %arg1[%get3A_2, %get3A_3] : memref<128x128xf32, #tpu.memory_space<vmem>>, vector<128x128xf32>
    %dot_general3A = arith.constant dense<0.000000e+00> : vector<10000x128xf32>
    %dot_general3A_5 = tpu.matmul %get3A_1, %get3A_4, %dot_general3A {dimension_numbers = #tpu.dot_dimension_numbers<[1], [0], [0], [1], [0, 0, 1, 1], [], []>, transpose_lhs_hint = false} : vector<10000x128xf32>, vector<128x128xf32>, vector<10000x128xf32> -> vector<10000x128xf32>
    %get3A_6 = arith.constant 0 : index
    %get3A_7 = arith.constant 0 : index
    %get3A_8 = vector.load %arg2[%get3A_6, %get3A_7] : memref<10240x1xf32, #tpu.memory_space<vmem>>, vector<10000x1xf32>
    %mul3A = vector.broadcast %get3A_8 : vector<10000x1xf32> to vector<10000x128xf32>
    %mul3A_9 = arith.mulf %dot_general3A_5, %mul3A : vector<10000x128xf32>
    %swap3A = arith.constant 0 : index
    %swap3A_10 = arith.constant 0 : index
    %swap3A_11 = vector.load %arg3[%swap3A, %swap3A_10] : memref<10240x128xf32, #tpu.memory_space<vmem>>, vector<10000x128xf32>
    tpu.vector_store %arg3[%swap3A, %swap3A_10], %mul3A_9 {strides = array<i32>} : memref<10240x128xf32, #tpu.memory_space<vmem>>, vector<10000x128xf32>,
    %broadcast_in_dim3A = arith.constant 0.000000e+00 : f32
    %broadcast_in_dim3A_12 = vector.broadcast %broadcast_in_dim3A : f32 to vector<240x128xf32>
    %swap3A_13 = arith.constant 10000 : index
    %swap3A_14 = arith.constant 0 : index
    %swap3A_15 = vector.load %arg3[%swap3A_13, %swap3A_14] : memref<10240x128xf32, #tpu.memory_space<vmem>>, vector<240x128xf32>
    tpu.vector_store %arg3[%swap3A_13, %swap3A_14], %broadcast_in_dim3A_12 {strides = array<i32>} : memref<10240x128xf32, #tpu.memory_space<vmem>>, vector<240x128xf32>,
    return
  }
}

module attributes {stable_mosaic.version = 14 : i64} {
  func.func @_pool_out_body(%arg0: memref<10000x128xf32, #tpu.memory_space<vmem>>, %arg1: memref<128x1xf32, #tpu.memory_space<vmem>>, %arg2: memref<1x1xf32, #tpu.memory_space<vmem>>, %arg3: memref<1x1xf32, #tpu.memory_space<vmem>>) attributes {dimension_semantics = [], scalar_prefetch = 0 : i64, scratch_operands = 0 : i64, tpu.core_type = #tpu.core_type<tc>} {
    %get3A = arith.constant 0 : index
    %get3A_0 = arith.constant 0 : index
    %get3A_1 = vector.load %arg0[%get3A, %get3A_0] : memref<10000x128xf32, #tpu.memory_space<vmem>>, vector<10000x128xf32>
    %reduce_sum3A = arith.constant dense<0.000000e+00> : vector<128xf32>
    %reduce_sum3A_2 = vector.multi_reduction <add>, %get3A_1, %reduce_sum3A [0] : vector<10000x128xf32> to vector<128xf32>
    %broadcast_in_dim3A = vector.shape_cast %reduce_sum3A_2 : vector<128xf32> to vector<1x128xf32>
    %div3A = arith.constant 1.000000e+04 : f32
    %div3A_3 = vector.broadcast %div3A : f32 to vector<1x128xf32>
    %div3A_4 = arith.divf %broadcast_in_dim3A, %div3A_3 : vector<1x128xf32>
    %get3A_5 = arith.constant 0 : index
    %get3A_6 = arith.constant 0 : index
    %get3A_7 = vector.load %arg1[%get3A_5, %get3A_6] : memref<128x1xf32, #tpu.memory_space<vmem>>, vector<128x1xf32>
    %dot_general3A = arith.constant dense<0.000000e+00> : vector<1x1xf32>
    %dot_general3A_8 = tpu.matmul %div3A_4, %get3A_7, %dot_general3A {dimension_numbers = #tpu.dot_dimension_numbers<[1], [0], [0], [1], [0, 0, 1, 1], [], []>, transpose_lhs_hint = false} : vector<1x128xf32>, vector<128x1xf32>, vector<1x1xf32> -> vector<1x1xf32>
    %get3A_9 = arith.constant 0 : index
    %get3A_10 = arith.constant 0 : index
    %get3A_11 = vector.load %arg2[%get3A_9, %get3A_10] : memref<1x1xf32, #tpu.memory_space<vmem>>, vector<1x1xf32>
    %add3A = arith.addf %dot_general3A_8, %get3A_11 : vector<1x1xf32>
    %swap3A = arith.constant 0 : index
    %swap3A_12 = arith.constant 0 : index
    %swap3A_13 = vector.load %arg3[%swap3A, %swap3A_12] : memref<1x1xf32, #tpu.memory_space<vmem>>, vector<1x1xf32>
    tpu.vector_store %arg3[%swap3A, %swap3A_12], %add3A {strides = array<i32>} : memref<1x1xf32, #tpu.memory_space<vmem>>, vector<1x1xf32>,
    return
  }
}

</mosaic_0001>

<sc_bundles>
// kernel: kernel.17.cloned.1.call-start
scs
__scs_entry_jumppad:
0x0: {  	(pc) =	sbr.rel $0x88, $3  }
0x1: {  	(tag) =	ssettag $0x0;
	lr =	simm.s32 $0x1  }
0x2: {  	[smem:$0x3F97] =	sst lr;
	_ =	strace $0xD0000000  }
0x3: {  	_ = 	snop  }
0x4: {  	_ = 	snop  }
0x5: {  	_ = 	snop  }
0x6: {  	_ = 	snop  }
0x7: {  	_ = 	snop  }
__scs_overlays_trampoline_lowered:
0x8: {  	[smem:$0x3FA6] =	sst s0  }
0x9: {  	[smem:$0x3FA7] =	sst s1  }
0xa: {  	[smem:$0x3FA8] =	sst s2  }
0xb: {  	[smem:$0x3FA9] =	sst s3  }
0xc: {  	[smem:$0x3FAA] =	sst s4  }
0xd: {  	[smem:$0x3FAB] =	sst s5  }
0xe: {  	[smem:$0x3FAC] =	sst s6  }
0xf: {  	[smem:$0x3FAD] =	sst s7  }
0x10: {  	[smem:$0x3FAE] =	sst s8  }
0x11: {  	[smem:$0x3FAF] =	sst s9;
	s0 =	simm.s32 @!p0 $0x0  }
0x12: {  	s1 =	sld [smem:$0x3F95];
	s0 =	simm.s32 @p0 $0x1  }
0x13: {  	[smem:$0x3FB0] =	sst s0;
	s0 =	simm.s32 @!p1 $0x0  }
0x14: {  	s2 =	sld [smem:$0x3F94];
	s0 =	simm.s32 @p1 $0x1  }
0x15: {  	[smem:$0x3FB1] =	sst s0;
	s0 =	simm.s32 @!p2 $0x0  }
0x16: {  	s3 =	sld [smem:$0x3FDB];
	s0 =	simm.s32 @p2 $0x1  }
0x17: {  	s4 =	simm.s32 $0x1BF5;
	[smem:$0x3FB3] =	sst s0  }
0x18: {  	s0 =	sld [smem:$0x3F96];
	_ =	swait.ge [sflag:s4], $0x0  }
0x19: {  	s7 =	sld [smem:$0x3F97]  }
0x1a: {  	s8 =	sadd.s32 $0xFFFFE003, lr  }
0x1b: {  	s9 =	sadd.s32 $0xFFFFFEF7, lr;
	s5 =	simm.s32 $0xFFFFFFFF;
	p2 =	slt.u32 s8, $0xFFFFF086  }
0x1c: {  	p1 =	slt.u32 s9, $0xF7A;
	s5 =	simm.s32 @!p2 $0x0  }
0x1d: {  	s5 =	simm.s32 @p1 $0x1;
	p0 =	seq.s32 s7, s2  }
0x1e: {  	s7 =	smul.u32 @!p0 $0xF7A, s2;
	p2 =	seq.s32 @!p0 s5, $0x0  }
0x1f: {  	s9 =	smul.u32 $0xF7A, s1;
	s8 =	simm.s32 @!p0 $0x1BF5;
	p2 =	por !p2, p0  }
0x20: {  	[sflag:s8] =	ssyncset.s32 @!p0 $0xFFFFF086;
	s6 =	sadd.s32 @!p0 s3, s7;
	s7 =	simm.s32 @!p0 $0x108  }
0x21: {  	s3 =	sadd.s32 s3, s9;
	s6 =	sadd.s32 @!p0 $0x88, s6;
	s7 =	simm.s32 @p2 $0x1082  }
0x22: {  	[simem:s7], [sflag:s8] =	dma.local @!p0 [hbm:s6], $0xF7A  }
0x23: {  	s9 =	sor.u32 $0xD0000000, s2;
	s6 =	simm.s32 $0x108;
	_ =	swait.ge @!p0 [sflag:s8], $0x0  }
0x24: {  	s3 =	sadd.s32 $0x88, s3;
	s6 =	simm.s32 @!p1 $0x1082;
	[sflag:s4] =	ssyncset.s32 $0xFFFFF086  }
0x25: {  	[simem:s6], [sflag:s4] =	dma.local [hbm:s3], $0xF7A  }
0x26: {  	[smem:$0x3F97] =	sst s1;
	(tag) =	ssettag s2;
	_ =	strace s9  }
0x27: {  	s1 =	sld [smem:$0x3FA7]  }
0x28: {  	s2 =	sld [smem:$0x3FA8]  }
0x29: {  	s4 =	sld [smem:$0x3FAA]  }
0x2a: {  	p0 =	seq.s32 s5, $0x0;
	s5 =	sld [smem:$0x3FAB]  }
0x2b: {  	s6 =	sld [smem:$0x3FAC]  }
0x2c: {  	s7 =	sld [smem:$0x3FAD]  }
0x2d: {  	s3 =	simm.s32 $0x108;
	s8 =	sld [smem:$0x3FAE]  }
0x2e: {  	s3 =	simm.s32 @!p0 $0x1082;
	s9 =	sld [smem:$0x3FAF]  }
0x2f: {  	lr =	sadd.s32 s0, s3;
	s0 =	sld [smem:$0x3FA6]  }
0x30: {  	s3 =	sld [smem:$0x3FA9]  }
0x31: {  	[smem:$0x3FB2] =	sst s10  }
0x32: {  	s10 =	sld [smem:$0x3FB0];
	_ =	sdelay $0x3  }
0x33: {  	p0 =	seq.s32 s10, $0x1;
	s10 =	sld [smem:$0x3FB2];
	_ =	sdelay $0x3  }
0x34: {  	[smem:$0x3FB2] =	sst s10  }
0x35: {  	s10 =	sld [smem:$0x3FB1];
	_ =	sdelay $0x3  }
0x36: {  	p1 =	seq.s32 s10, $0x1;
	s10 =	sld [smem:$0x3FB2];
	_ =	sdelay $0x3  }
0x37: {  	[smem:$0x3FB2] =	sst s10  }
0x38: {  	s10 =	sld [smem:$0x3FB3]  }
0x39: {  	_ = 	snop;
	(pc) =	sbr.ind lr, $3  }
0x3a: {  	_ = 	snop  }
0x3b: {  	_ = 	snop  }
0x3c: {  	p2 =	seq.s32 s10, $0x1;
	s10 =	sld [smem:$0x3FB2]  }
0x3d: {  	_ =	shalt  }
0x3e: {  	_ =	shalt  }
0x3f: {  	_ =	shalt  }
0x40: {  	_ =	shalt  }
0x41: {  	_ =	shalt  }
0x42: {  	_ =	shalt  }
0x43: {  	_ =	shalt  }
0x44: {  	_ =	shalt  }
0x45: {  	_ =	shalt  }
0x46: {  	_ =	shalt  }
0x47: {  	_ =	shalt  }
0x48: {  	_ =	shalt  }
0x49: {  	_ =	shalt  }
0x4a: {  	_ =	shalt  }
0x4b: {  	_ =	shalt  }
0x4c: {  	_ =	shalt  }
0x4d: {  	_ =	shalt  }
0x4e: {  	_ =	shalt  }
0x4f: {  	_ =	shalt  }
0x50: {  	_ =	shalt  }
0x51: {  	_ =	shalt  }
0x52: {  	_ =	shalt  }
0x53: {  	_ =	shalt  }
0x54: {  	_ =	shalt  }
0x55: {  	_ =	shalt  }
0x56: {  	_ =	shalt  }
0x57: {  	_ =	shalt  }
0x58: {  	_ =	shalt  }
0x59: {  	_ =	shalt  }
0x5a: {  	_ =	shalt  }
0x5b: {  	_ =	shalt  }
0x5c: {  	_ =	shalt  }
0x5d: {  	_ =	shalt  }
0x5e: {  	_ =	shalt  }
0x5f: {  	_ =	shalt  }
0x60: {  	_ =	shalt  }
0x61: {  	_ =	shalt  }
0x62: {  	_ =	shalt  }
0x63: {  	_ =	shalt  }
0x64: {  	_ =	shalt  }
0x65: {  	_ =	shalt  }
0x66: {  	_ =	shalt  }
0x67: {  	_ =	shalt  }
0x68: {  	_ =	shalt  }
0x69: {  	_ =	shalt  }
0x6a: {  	_ =	shalt  }
0x6b: {  	_ =	shalt  }
0x6c: {  	_ =	shalt  }
0x6d: {  	_ =	shalt  }
0x6e: {  	_ =	shalt  }
0x6f: {  	_ =	shalt  }
0x70: {  	_ =	shalt  }
0x71: {  	_ =	shalt  }
0x72: {  	_ =	shalt  }
0x73: {  	_ =	shalt  }
0x74: {  	_ =	shalt  }
0x75: {  	_ =	shalt  }
0x76: {  	_ =	shalt  }
0x77: {  	_ =	shalt  }
0x78: {  	_ =	shalt  }
0x79: {  	_ =	shalt  }
0x7a: {  	_ =	shalt  }
0x7b: {  	_ =	shalt  }
0x7c: {  	_ =	shalt  }
0x7d: {  	_ =	shalt  }
0x7e: {  	_ =	shalt  }
0x7f: {  	_ =	shalt  }
0x80: {  	_ =	shalt  }
0x81: {  	_ =	shalt  }
0x82: {  	_ =	shalt  }
0x83: {  	_ =	shalt  }
0x84: {  	_ =	shalt  }
0x85: {  	_ =	shalt  }
0x86: {  	_ =	shalt  }
0x87: {  	_ =	shalt  }
.Lfunc_end0:
.L_simem_size_0:
called_computation_lowered:
.L_overlay_start_0:
0x88: {  	s2 =	sld [smem:$0x3FD9]  }
0x89: {  	s3 =	sld [smem:$0x3FFE];
	_ =	sdelay $0x1  }
0x8a: {  	s1 =	srdreg.scid  }
0x8b: {  	s0 =	sand.u32 $0x1, s1  }
0x8c: {  	s16 =	sshll.u32 s0, $0xA;
	s2 =	sadd.s32 s3, s2  }
0x8d: {  	s2 =	sadd.s32 s2, s16  }
0x8e: {  	[smem:$0x3FBE] =	sst s2  }
0x8f: {  	_ = 	snop  }
0x90: {  	(tm) =	ssettm $0x1  }
0x91: {  	s17 =	sld [smem:$0x3FFB];
	_ =	sdelay $0x3  }
0x92: {  	_ =	strace s17  }
0x93: {  	s2 =	sld [smem:$0x3FFC];
	_ =	sdelay $0x3  }
0x94: {  	_ =	strace s2  }
0x95: {  	s2 =	sld [smem:$0x3FFD];
	_ =	sdelay $0x3  }
0x96: {  	_ =	strace s2  }
0x97: {  	_ =	strace $0x8FFFFFFF  }
0x98: {  	s18 =	sld [smem:$0x3FDB];
	_ =	sdelay $0x1  }
0x99: {  	s19 =	simm.s32 $_scs_section_size  }
0x9a: {  	s4 =	simm.s32 $_size__tile_overlayer_lowered;
	s5 =	simm.s32 $_tile_overlayer_lowered  }
0x9b: {  	s22 =	simm.s32 $0x1BFF;
	s21 =	sshll.u32 s5, $0x1;
	s2 =	sadd.s32 s19, s18  }
0x9c: {  	s6 =	simm.s32 $0x0;
	s20 =	sshll.u32 s4, $0x1;
	s4 =	sadd.s32 s21, s2  }
0x9d: {  	[timem:s6], [sflag:s22] =	dma.local [hbm:s4], s20  }
0x9e: {  	_ =	swait.ge [sflag:s22], s20  }
0x9f: {  	s3 =	ssub.s32 $0x0, s20;
	[sflag:s22] =	ssyncset.done $0x0  }
0xa0: {  	[sflag:s22] =	ssyncadd.s32 s3;
	_ =	sdelay $0x1  }
0xa1: {  	s23 =	simm.s32 $0x1B8B  }
0xa2: {  	_ =	swait.ge [sflag:s23], $0x1  }
0xa3: {  	[sflag:s23] =	ssyncset.done $0x0  }
0xa4: {  	s25 =	simm.s32 $0x1B8E;
	s24 =	sld [smem:$0x3FFE];
	[sflag:s23] =	ssyncadd.s32 $0xFFFFFFFF  }
0xa5: {  	s26 =	simm.s32 $execute0_lowered;
	[smem:$0x3FD2] =	sst s25  }
0xa6: {  	s4 =	sshll.u32 s26, $0x1;
	_ =	strace $0x80000046;
	[dreg:$0x1] =	wrdreg $0xFFFFFFFF  }
0xa7: {  	s28 =	simm.s32 $_size_execute0_lowered;
	s2 =	sadd.s32 s2, s4;
	[dreg:$0x0] =	wrdreg $0x0  }
0xa8: {  	s4 =	sshll.u32 s28, $0x1;
	[dreg:$0x2] =	wrdreg s2  }
0xa9: {  	[dreg:$0x3] =	wrdreg s4  }
0xaa: {  	[dreg:$0x4] =	wrdreg $0xC0  }
0xab: {  	_ =	task [dreg:s6], $0x5FFFF  }
0xac: {  	[dreg:$0x1] =	wrdreg $0xFFFFFFFF  }
0xad: {  	[dreg:$0x0] =	wrdreg $0x60  }
0xae: {  	[dreg:$0x2] =	wrdreg s24  }
0xaf: {  	[dreg:$0x3] =	wrdreg $0x28800  }
0xb0: {  	[dreg:$0x4] =	wrdreg $0x9  }
0xb1: {  	_ =	task.clear_ibuf [dreg:s6], $0x5FFFF;
	_ =	strace $0x90000046  }
0xb2: {  	s29 =	simm.s32 $0x9;
	_ =	strace $0x80000048  }
0xb3: {  	_ =	swait.ge [sflag:s29], $0x1  }
0xb4: {  	[sflag:s29] =	ssyncadd.s32 $0xFFFFFFFF  }
0xb5: {  	_ =	strace $0x90000048  }
0xb6: {  	_ =	sfence  }
0xb7: {  	s30 =	sld [smem:$0x0];
	_ =	sdelay $0x2  }
0xb8: {  	s31 =	sshll.u32 s1, $0xD;
	s1 =	sshrl.u32 s1, $0x2  }
0xb9: {  	s3 =	sand.u32 $0x4000, s31;
	s1 =	sadd.s32 s1, s30  }
0xba: {  	s0 =	sor.u32 s3, s0;
	s1 =	sshll.u32 s1, $0x11  }
0xbb: {  	s0 =	sor.u32 s1, s0  }
0xbc: {  	s0 =	sadd.s32 $0x8F2B, s0  }
0xbd: {  	[sflag:s0] =	ssyncadd.remote.s32 $0x1  }
0xbe: {  	_ =	sfence.sel $0xFFFF  }
0xbf: {  	[dreg:$0x0] =	wrdreg $0xFFFFFFFF;
	(pc) =	sbr.abs _section_cstart, $3  }
0xc0: {  	[dreg:$0x1] =	wrdreg $0xFFFFFFFF  }
0xc1: {  	_ =	task.clear_ibuf [dreg:s6], $0x2FFFF;
	_ =	strace $0x9FFFFFFF  }
0xc2: {  	(tm) =	ssettm $0x7FFFFFFF  }
0xc3: {  	_ =	shalt  }
tec
execute0_lowered:
.L_overlay_start_1:
0x0: {  	(tag) =	ssettag $0x1  }
0x1: {  	s0 =	srdreg.scid;
	s5 =	rddreg [dreg:$0x0]  }
0x2: {  	s2 =	rddreg [dreg:$0x1];
	s6 =	sand.u32 $0x1, s0  }
0x3: {  	s0 =	stileid.u32;
	s4 =	smul.u32 $0x27100, s6  }
0x4: {  	s1 =	rddreg [dreg:$0x2];
	s3 =	simm.s32 $0x0;
	s7 =	smul.u32 $0x2710, s0  }
0x5: {  	s13 =	simm.s32 $0x50;
	[smem:$0x7FF] =	sst s3;
	s28 =	smul.u32 $0x14000, s0  }
0x6: {  	s14 =	simm.s32 $0x0;
	_ =	strace $0x80000047;
	s8 =	smul.u32 $0x140000, s6  }
0x7: {  	s6 =	ssub.s32 $0x2, s6;
	s29 =	smul.u32 $0x50000, s0;
	s31 =	sshll.u32 s0, $0x6  }
0x8: {  	s11 =	sshrl.u32 s6, $0x1;
	s4 =	sadd.s32 s7, s4;
	s10 =	sshrl.u32 s28, $0x3  }
0x9: {  	s7 =	sadd.s32 s28, s8;
	s11 =	ssub.s32 s6, s11;
	s30 =	sshrl.u32 s29, $0x2  }
0xa: {  	s6 =	sor.u32 $0x1C01, s31;
	s4 =	sshrl.u32 s4, $0x3;
	s10 =	sadd.s32 s10, s5  }
0xb: {  	s7 =	sshrl.u32 s7, $0x3;
	s12 =	sadd.s32 s30, s2;
	s8 =	smax.u32 s11, $0x1  }
0xc: {  	s11 =	simm.s32 $0x1;
	s9 =	sadd.s32 s4, s5;
	s4 =	sadd.s32 $0x3F600, s5  }
0xd: {  	s7 =	sadd.s32 s7, s5;
	s5 =	sadd.s32 $0x17600, s10;
	s10 =	sshrl.u32 s12, $0x3  }
0xe: {  	s12 =	simm.s32 $0x80;
	s7 =	sadd.s32 $0x3FC00, s7;
	s9 =	sadd.s32 $0xD800, s9  }
.LBB2_1:
0xf: {  	[spmem:s10], [sflag:s6] =	dma.local [hbm:s5], $0x2800  }
0x10: {  	_ =	swait.ge [sflag:s11], $0x2800  }
0x11: {  	[sflag:s11] =	ssyncset.done $0x0  }
0x12: {  	[sflag:s11] =	ssyncadd.s32 $0xFFFFD800  }
0x13: {  	[tilespmem:s12], [sflag:$0x1] =	stream.linear.gather [hbm4b:s4+s3], $0x2800, $0x38;
	[tilespmem:$0x5080] =	vst v63  }
0x14: {  	_ =	swait.ge [sflag:s11], $0x2800  }
0x15: {  	[sflag:s11] =	ssyncset.done $0x0  }
0x16: {  	[sflag:s11] =	ssyncadd.s32 $0xFFFFD800  }
0x17: {  	s15 =	sadd.s32 $0x0, s9;
	[bflag:$0x0] =	sbarrier.arrive $0xFFFF  }
0x18: {  	[tilespmem:s3], [sflag:$0x1] =	stream.linear.gather [hbm4b:s15+s3], $0x50, $0x38;
	[tilespmem:$0x5080] =	vst v63  }
0x19: {  	_ =	swait.ge [sflag:s11], $0x50  }
0x1a: {  	[sflag:s11] =	ssyncset.done $0x0  }
0x1b: {  	[sflag:s11] =	ssyncadd.s32 $0xFFFFFFB0  }
0x1c: {  	[spmem:s2] =	stream.indirect.scatter.add.f32 [tilespmem:s12], [sflag:$0x1], $0x10, s3, s13, $0xb8;
	[tilespmem:$0x5080] =	vst v63  }
0x1d: {  	_ =	swait.ge [sflag:s11], $0x500  }
0x1e: {  	s16 =	simm.s32 $0x14;
	s15 =	simm.s32 $0xA;
	[sflag:s11] =	ssyncset.done $0x0  }
.LBB2_2:
0x1f: {  	s17 =	sadd.s32 s15, s9  }
0x20: {  	[sflag:s11] =	ssyncadd.s32 $0xFFFFFB00;
	s15 =	smov.u32 s16;
	s18 =	sadd.s32 $0xA, s16  }
0x21: {  	[tilespmem:s3], [sflag:$0x1] =	stream.linear.gather [hbm4b:s17+s3], $0x50, $0x38;
	[tilespmem:$0x5080] =	vst v63  }
0x22: {  	p0 =	sne.s32 s16, $0x4D8;
	_ =	swait.ge [sflag:s11], $0x50  }
.Ltmp0:
0x23: {  	[sflag:s11] =	ssyncset.done $0x0;
	(pc) =	sbr.rel @p0 .LBB2_2-.Ltmp0, $4  }
0x24: {  	[sflag:s11] =	ssyncadd.s32 $0xFFFFFFB0  }
0x25: {  	[spmem:s2] =	stream.indirect.scatter.add.f32 [tilespmem:s12], [sflag:$0x1], $0x10, s3, s13, $0xb8;
	[tilespmem:$0x5080] =	vst v63  }
0x26: {  	_ =	swait.ge [sflag:s11], $0x500  }
0x27: {  	s16 =	smov.u32 s18;
	[sflag:s11] =	ssyncset.done $0x0  }
0x28: {  	s15 =	sadd.s32 s15, s9;
	[sflag:s11] =	ssyncadd.s32 $0xFFFFFB00  }
0x29: {  	[tilespmem:s3], [sflag:$0x1] =	stream.linear.gather [hbm4b:s15+s3], $0x50, $0x38;
	[tilespmem:$0x5080] =	vst v63  }
0x2a: {  	_ =	swait.ge [sflag:s11], $0x50  }
0x2b: {  	[sflag:s11] =	ssyncset.done $0x0  }
0x2c: {  	[sflag:s11] =	ssyncadd.s32 $0xFFFFFFB0  }
0x2d: {  	[spmem:s2] =	stream.indirect.scatter.add.f32 [tilespmem:s12], [sflag:$0x1], $0x10, s3, s13, $0xb8;
	[tilespmem:$0x5080] =	vst v63  }
0x2e: {  	_ =	swait.ge [sflag:s11], $0x500  }
0x2f: {  	s14 =	sadd.s32 $0x1, s14;
	[sflag:s11] =	ssyncset.done $0x0  }
0x30: {  	p0 =	sne.s32 s14, s8;
	[sflag:s11] =	ssyncadd.s32 $0xFFFFFB00  }
.Ltmp1:
0x31: {  	[bflag:$0x0] =	sbarrier.arrive $0xFFFF;
	(pc) =	sbr.rel @p0 .LBB2_1-.Ltmp1, $4  }
0x32: {  	[hbm:s7], [sflag:s6] =	dma.local [spmem:s10], $0x2800  }
0x33: {  	_ =	swait.ge [sflag:s11], $0x2800  }
0x34: {  	[sflag:s11] =	ssyncset.done $0x0  }
0x35: {  	[sflag:s11] =	ssyncadd.s32 $0xFFFFD800  }
0x36: {  	_ =	sfence.sel $0x180000  }
0x37: {  	[bflag:$0x0] =	sbarrier.arrive $0xFFFF  }
0x38: {  	p0 =	sne.s32 s0, $0x0;
	_ =	strace $0x90000047  }
0x39: {  	s0 =	sadd.s32 @!p0 $0x100000, s1;
	[bflag:$0x2] =	sbarrier.arrive $0xFFFF  }
0x3a: {  	[sflag:s0] =	ssyncadd.tile.s32 @!p0 $0x1;
	_ =	shalt  }
.Lfunc_end2:
_tile_overlayer_lowered:
.L_overlay_start_2:
0x3b: {  	(tag) =	ssettag $0x2  }
0x3c: {  	s0 =	rddreg [dreg:$0x0];
	s2 =	stileid.u32  }
0x3d: {  	s1 =	rddreg [dreg:$0x1];
	p0 =	sne.s32 s2, $0x0  }
0x3e: {  	s3 =	rddreg [dreg:$0x2];
	[bflag:$0x3] =	sbarrier.arrive $0xFFFF;
	s2 =	simm.s32 @!p0 $0x1C01  }
0x3f: {  	[timem:s3], [sflag:s2] =	dma.local @!p0 [hbm:s0], s1  }
0x40: {  	s0 =	simm.s32 @!p0 $0x1  }
0x41: {  	_ =	swait.ge @!p0 [sflag:s0], s1  }
0x42: {  	s1 =	ssub.s32 @!p0 $0x0, s1;
	[sflag:s0] =	ssyncset.done @!p0 $0x0  }
0x43: {  	[sflag:s0] =	ssyncadd.s32 @!p0 s1  }
0x44: {  	[bflag:$0x3] =	sbarrier.arrive $0xFFFF  }
0x45: {  	_ =	shalt  }

// kernel: kernel.20.cloned.1.call-start
scs
__scs_entry_jumppad:
0x0: {  	(pc) =	sbr.rel $0x88, $3  }
0x1: {  	(tag) =	ssettag $0x0;
	lr =	simm.s32 $0x1  }
0x2: {  	[smem:$0x3F97] =	sst lr;
	_ =	strace $0xD0000000  }
0x3: {  	_ = 	snop  }
0x4: {  	_ = 	snop  }
0x5: {  	_ = 	snop  }
0x6: {  	_ = 	snop  }
0x7: {  	_ = 	snop  }
__scs_overlays_trampoline_lowered:
0x8: {  	[smem:$0x3FA6] =	sst s0  }
0x9: {  	[smem:$0x3FA7] =	sst s1  }
0xa: {  	[smem:$0x3FA8] =	sst s2  }
0xb: {  	[smem:$0x3FA9] =	sst s3  }
0xc: {  	[smem:$0x3FAA] =	sst s4  }
0xd: {  	[smem:$0x3FAB] =	sst s5  }
0xe: {  	[smem:$0x3FAC] =	sst s6  }
0xf: {  	[smem:$0x3FAD] =	sst s7  }
0x10: {  	[smem:$0x3FAE] =	sst s8  }
0x11: {  	[smem:$0x3FAF] =	sst s9;
	s0 =	simm.s32 @!p0 $0x0  }
0x12: {  	s1 =	sld [smem:$0x3F95];
	s0 =	simm.s32 @p0 $0x1  }
0x13: {  	[smem:$0x3FB0] =	sst s0;
	s0 =	simm.s32 @!p1 $0x0  }
0x14: {  	s2 =	sld [smem:$0x3F94];
	s0 =	simm.s32 @p1 $0x1  }
0x15: {  	[smem:$0x3FB1] =	sst s0;
	s0 =	simm.s32 @!p2 $0x0  }
0x16: {  	s3 =	sld [smem:$0x3FDB];
	s0 =	simm.s32 @p2 $0x1  }
0x17: {  	s4 =	simm.s32 $0x1BF5;
	[smem:$0x3FB3] =	sst s0  }
0x18: {  	s0 =	sld [smem:$0x3F96];
	_ =	swait.ge [sflag:s4], $0x0  }
0x19: {  	s7 =	sld [smem:$0x3F97]  }
0x1a: {  	s8 =	sadd.s32 $0xFFFFE003, lr  }
0x1b: {  	s9 =	sadd.s32 $0xFFFFFEF7, lr;
	s5 =	simm.s32 $0xFFFFFFFF;
	p2 =	slt.u32 s8, $0xFFFFF086  }
0x1c: {  	p1 =	slt.u32 s9, $0xF7A;
	s5 =	simm.s32 @!p2 $0x0  }
0x1d: {  	s5 =	simm.s32 @p1 $0x1;
	p0 =	seq.s32 s7, s2  }
0x1e: {  	s7 =	smul.u32 @!p0 $0xF7A, s2;
	p2 =	seq.s32 @!p0 s5, $0x0  }
0x1f: {  	s9 =	smul.u32 $0xF7A, s1;
	s8 =	simm.s32 @!p0 $0x1BF5;
	p2 =	por !p2, p0  }
0x20: {  	[sflag:s8] =	ssyncset.s32 @!p0 $0xFFFFF086;
	s6 =	sadd.s32 @!p0 s3, s7;
	s7 =	simm.s32 @!p0 $0x108  }
0x21: {  	s3 =	sadd.s32 s3, s9;
	s6 =	sadd.s32 @!p0 $0x88, s6;
	s7 =	simm.s32 @p2 $0x1082  }
0x22: {  	[simem:s7], [sflag:s8] =	dma.local @!p0 [hbm:s6], $0xF7A  }
0x23: {  	s9 =	sor.u32 $0xD0000000, s2;
	s6 =	simm.s32 $0x108;
	_ =	swait.ge @!p0 [sflag:s8], $0x0  }
0x24: {  	s3 =	sadd.s32 $0x88, s3;
	s6 =	simm.s32 @!p1 $0x1082;
	[sflag:s4] =	ssyncset.s32 $0xFFFFF086  }
0x25: {  	[simem:s6], [sflag:s4] =	dma.local [hbm:s3], $0xF7A  }
0x26: {  	[smem:$0x3F97] =	sst s1;
	(tag) =	ssettag s2;
	_ =	strace s9  }
0x27: {  	s1 =	sld [smem:$0x3FA7]  }
0x28: {  	s2 =	sld [smem:$0x3FA8]  }
0x29: {  	s4 =	sld [smem:$0x3FAA]  }
0x2a: {  	p0 =	seq.s32 s5, $0x0;
	s5 =	sld [smem:$0x3FAB]  }
0x2b: {  	s6 =	sld [smem:$0x3FAC]  }
0x2c: {  	s7 =	sld [smem:$0x3FAD]  }
0x2d: {  	s3 =	simm.s32 $0x108;
	s8 =	sld [smem:$0x3FAE]  }
0x2e: {  	s3 =	simm.s32 @!p0 $0x1082;
	s9 =	sld [smem:$0x3FAF]  }
0x2f: {  	lr =	sadd.s32 s0, s3;
	s0 =	sld [smem:$0x3FA6]  }
0x30: {  	s3 =	sld [smem:$0x3FA9]  }
0x31: {  	[smem:$0x3FB2] =	sst s10  }
0x32: {  	s10 =	sld [smem:$0x3FB0];
	_ =	sdelay $0x3  }
0x33: {  	p0 =	seq.s32 s10, $0x1;
	s10 =	sld [smem:$0x3FB2];
	_ =	sdelay $0x3  }
0x34: {  	[smem:$0x3FB2] =	sst s10  }
0x35: {  	s10 =	sld [smem:$0x3FB1];
	_ =	sdelay $0x3  }
0x36: {  	p1 =	seq.s32 s10, $0x1;
	s10 =	sld [smem:$0x3FB2];
	_ =	sdelay $0x3  }
0x37: {  	[smem:$0x3FB2] =	sst s10  }
0x38: {  	s10 =	sld [smem:$0x3FB3]  }
0x39: {  	_ = 	snop;
	(pc) =	sbr.ind lr, $3  }
0x3a: {  	_ = 	snop  }
0x3b: {  	_ = 	snop  }
0x3c: {  	p2 =	seq.s32 s10, $0x1;
	s10 =	sld [smem:$0x3FB2]  }
0x3d: {  	_ =	shalt  }
0x3e: {  	_ =	shalt  }
0x3f: {  	_ =	shalt  }
0x40: {  	_ =	shalt  }
0x41: {  	_ =	shalt  }
0x42: {  	_ =	shalt  }
0x43: {  	_ =	shalt  }
0x44: {  	_ =	shalt  }
0x45: {  	_ =	shalt  }
0x46: {  	_ =	shalt  }
0x47: {  	_ =	shalt  }
0x48: {  	_ =	shalt  }
0x49: {  	_ =	shalt  }
0x4a: {  	_ =	shalt  }
0x4b: {  	_ =	shalt  }
0x4c: {  	_ =	shalt  }
0x4d: {  	_ =	shalt  }
0x4e: {  	_ =	shalt  }
0x4f: {  	_ =	shalt  }
0x50: {  	_ =	shalt  }
0x51: {  	_ =	shalt  }
0x52: {  	_ =	shalt  }
0x53: {  	_ =	shalt  }
0x54: {  	_ =	shalt  }
0x55: {  	_ =	shalt  }
0x56: {  	_ =	shalt  }
0x57: {  	_ =	shalt  }
0x58: {  	_ =	shalt  }
0x59: {  	_ =	shalt  }
0x5a: {  	_ =	shalt  }
0x5b: {  	_ =	shalt  }
0x5c: {  	_ =	shalt  }
0x5d: {  	_ =	shalt  }
0x5e: {  	_ =	shalt  }
0x5f: {  	_ =	shalt  }
0x60: {  	_ =	shalt  }
0x61: {  	_ =	shalt  }
0x62: {  	_ =	shalt  }
0x63: {  	_ =	shalt  }
0x64: {  	_ =	shalt  }
0x65: {  	_ =	shalt  }
0x66: {  	_ =	shalt  }
0x67: {  	_ =	shalt  }
0x68: {  	_ =	shalt  }
0x69: {  	_ =	shalt  }
0x6a: {  	_ =	shalt  }
0x6b: {  	_ =	shalt  }
0x6c: {  	_ =	shalt  }
0x6d: {  	_ =	shalt  }
0x6e: {  	_ =	shalt  }
0x6f: {  	_ =	shalt  }
0x70: {  	_ =	shalt  }
0x71: {  	_ =	shalt  }
0x72: {  	_ =	shalt  }
0x73: {  	_ =	shalt  }
0x74: {  	_ =	shalt  }
0x75: {  	_ =	shalt  }
0x76: {  	_ =	shalt  }
0x77: {  	_ =	shalt  }
0x78: {  	_ =	shalt  }
0x79: {  	_ =	shalt  }
0x7a: {  	_ =	shalt  }
0x7b: {  	_ =	shalt  }
0x7c: {  	_ =	shalt  }
0x7d: {  	_ =	shalt  }
0x7e: {  	_ =	shalt  }
0x7f: {  	_ =	shalt  }
0x80: {  	_ =	shalt  }
0x81: {  	_ =	shalt  }
0x82: {  	_ =	shalt  }
0x83: {  	_ =	shalt  }
0x84: {  	_ =	shalt  }
0x85: {  	_ =	shalt  }
0x86: {  	_ =	shalt  }
0x87: {  	_ =	shalt  }
.Lfunc_end0:
.L_simem_size_0:
called_computation.1_lowered:
.L_overlay_start_0:
0x88: {  	s2 =	sld [smem:$0x3FD9]  }
0x89: {  	s3 =	sld [smem:$0x3FFE];
	_ =	sdelay $0x1  }
0x8a: {  	s1 =	srdreg.scid  }
0x8b: {  	s0 =	sand.u32 $0x1, s1  }
0x8c: {  	s16 =	sshll.u32 s0, $0xA;
	s2 =	sadd.s32 s3, s2  }
0x8d: {  	s2 =	sadd.s32 s2, s16  }
0x8e: {  	[smem:$0x3FBE] =	sst s2  }
0x8f: {  	_ = 	snop  }
0x90: {  	(tm) =	ssettm $0x1  }
0x91: {  	s17 =	sld [smem:$0x3FFB];
	_ =	sdelay $0x3  }
0x92: {  	_ =	strace s17  }
0x93: {  	s2 =	sld [smem:$0x3FFC];
	_ =	sdelay $0x3  }
0x94: {  	_ =	strace s2  }
0x95: {  	s2 =	sld [smem:$0x3FFD];
	_ =	sdelay $0x3  }
0x96: {  	_ =	strace s2  }
0x97: {  	_ =	strace $0x8FFFFFFF  }
0x98: {  	s18 =	sld [smem:$0x3FDB];
	_ =	sdelay $0x1  }
0x99: {  	s19 =	simm.s32 $_scs_section_size  }
0x9a: {  	s4 =	simm.s32 $_size__tile_overlayer_lowered;
	s5 =	simm.s32 $_tile_overlayer_lowered  }
0x9b: {  	s22 =	simm.s32 $0x1BFF;
	s21 =	sshll.u32 s5, $0x1;
	s2 =	sadd.s32 s19, s18  }
0x9c: {  	s6 =	simm.s32 $0x0;
	s20 =	sshll.u32 s4, $0x1;
	s4 =	sadd.s32 s21, s2  }
0x9d: {  	[timem:s6], [sflag:s22] =	dma.local [hbm:s4], s20  }
0x9e: {  	_ =	swait.ge [sflag:s22], s20  }
0x9f: {  	s3 =	ssub.s32 $0x0, s20;
	[sflag:s22] =	ssyncset.done $0x0  }
0xa0: {  	[sflag:s22] =	ssyncadd.s32 s3;
	_ =	sdelay $0x1  }
0xa1: {  	s23 =	simm.s32 $0x1B8B  }
0xa2: {  	_ =	swait.ge [sflag:s23], $0x1  }
0xa3: {  	[sflag:s23] =	ssyncset.done $0x0  }
0xa4: {  	s25 =	simm.s32 $0x1B8E;
	s24 =	sld [smem:$0x3FFE];
	[sflag:s23] =	ssyncadd.s32 $0xFFFFFFFF  }
0xa5: {  	s26 =	simm.s32 $execute0_lowered;
	[smem:$0x3FD2] =	sst s25  }
0xa6: {  	s4 =	sshll.u32 s26, $0x1;
	_ =	strace $0x80000049;
	[dreg:$0x1] =	wrdreg $0xFFFFFFFF  }
0xa7: {  	s28 =	simm.s32 $_size_execute0_lowered;
	s2 =	sadd.s32 s2, s4;
	[dreg:$0x0] =	wrdreg $0x0  }
0xa8: {  	s4 =	sshll.u32 s28, $0x1;
	[dreg:$0x2] =	wrdreg s2  }
0xa9: {  	[dreg:$0x3] =	wrdreg s4  }
0xaa: {  	[dreg:$0x4] =	wrdreg $0xC0  }
0xab: {  	_ =	task [dreg:s6], $0x5FFFF  }
0xac: {  	[dreg:$0x1] =	wrdreg $0xFFFFFFFF  }
0xad: {  	[dreg:$0x0] =	wrdreg $0x60  }
0xae: {  	[dreg:$0x2] =	wrdreg s24  }
0xaf: {  	[dreg:$0x3] =	wrdreg $0x29000  }
0xb0: {  	[dreg:$0x4] =	wrdreg $0x9  }
0xb1: {  	_ =	task.clear_ibuf [dreg:s6], $0x5FFFF;
	_ =	strace $0x90000049  }
0xb2: {  	s29 =	simm.s32 $0x9;
	_ =	strace $0x8000004B  }
0xb3: {  	_ =	swait.ge [sflag:s29], $0x1  }
0xb4: {  	[sflag:s29] =	ssyncadd.s32 $0xFFFFFFFF  }
0xb5: {  	_ =	strace $0x9000004B  }
0xb6: {  	_ =	sfence  }
0xb7: {  	s30 =	sld [smem:$0x0];
	_ =	sdelay $0x2  }
0xb8: {  	s31 =	sshll.u32 s1, $0xD;
	s1 =	sshrl.u32 s1, $0x2  }
0xb9: {  	s3 =	sand.u32 $0x4000, s31;
	s1 =	sadd.s32 s1, s30  }
0xba: {  	s0 =	sor.u32 s3, s0;
	s1 =	sshll.u32 s1, $0x11  }
0xbb: {  	s0 =	sor.u32 s1, s0  }
0xbc: {  	s0 =	sadd.s32 $0x8F2B, s0  }
0xbd: {  	[sflag:s0] =	ssyncadd.remote.s32 $0x1  }
0xbe: {  	_ =	sfence.sel $0xFFFF  }
0xbf: {  	[dreg:$0x0] =	wrdreg $0xFFFFFFFF;
	(pc) =	sbr.abs _section_cstart, $3  }
0xc0: {  	[dreg:$0x1] =	wrdreg $0xFFFFFFFF  }
0xc1: {  	_ =	task.clear_ibuf [dreg:s6], $0x2FFFF;
	_ =	strace $0x9FFFFFFF  }
0xc2: {  	(tm) =	ssettm $0x7FFFFFFF  }
0xc3: {  	_ =	shalt  }
tec
execute0_lowered:
.L_overlay_start_1:
0x0: {  	(tag) =	ssettag $0x1  }
0x1: {  	s5 =	rddreg [dreg:$0x0]  }
0x2: {  	s0 =	srdreg.scid;
	s2 =	rddreg [dreg:$0x1]  }
0x3: {  	s1 =	rddreg [dreg:$0x2];
	s6 =	sand.u32 $0x1, s0  }
0x4: {  	s3 =	simm.s32 $0x0;
	s0 =	stileid.u32;
	s4 =	smul.u32 $0x27100, s6  }
0x5: {  	s13 =	simm.s32 $0x50;
	s14 =	simm.s32 $0x100;
	s7 =	smul.u32 $0x2710, s0  }
0x6: {  	s15 =	simm.s32 $0x1;
	s16 =	simm.s32 $0x80;
	s8 =	smul.u32 $0x14000, s0  }
0x7: {  	s17 =	simm.s32 $0x0;
	[smem:$0x7FF] =	sst s3;
	s9 =	smul.u32 $0x140000, s6  }
0x8: {  	_ =	strace $0x8000004A;
	s6 =	ssub.s32 $0x2, s6;
	s10 =	smul.u32 $0x50000, s0  }
0x9: {  	s31 =	sshll.u32 s0, $0x6;
	s26 =	sshrl.u32 s6, $0x1;
	s7 =	sadd.s32 s7, s4  }
0xa: {  	s4 =	sadd.s32 $0x17600, s5;
	s9 =	sadd.s32 s8, s9;
	s28 =	ssub.s32 s6, s26  }
0xb: {  	s29 =	sshrl.u32 s10, $0x2;
	s30 =	sshrl.u32 s8, $0x3;
	s6 =	sor.u32 $0x1C02, s31  }
0xc: {  	s7 =	sshrl.u32 s7, $0x3;
	s9 =	sshrl.u32 s9, $0x3;
	s12 =	sadd.s32 s29, s2  }
0xd: {  	s8 =	smax.u32 s28, $0x1;
	s11 =	sadd.s32 s7, s5;
	s25 =	sadd.s32 s9, s5  }
0xe: {  	s5 =	sadd.s32 s4, s30;
	s7 =	sadd.s32 $0x3F600, s25;
	s9 =	sadd.s32 $0xD800, s11  }
0xf: {  	s10 =	sadd.s32 $0x3A00, s11;
	s11 =	sshrl.u32 s12, $0x3;
	s12 =	simm.s32 $0x2  }
.LBB2_1:
0x10: {  	[spmem:s11], [sflag:s6] =	dma.local [hbm:s5], $0x2800  }
0x11: {  	_ =	swait.ge [sflag:s12], $0x2800  }
0x12: {  	[sflag:s12] =	ssyncset.done $0x0  }
0x13: {  	[sflag:s12] =	ssyncadd.s32 $0xFFFFD800  }
0x14: {  	s18 =	sadd.s32 $0x0, s10;
	[bflag:$0x0] =	sbarrier.arrive $0xFFFF  }
0x15: {  	[tilespmem:s3], [sflag:$0x2] =	stream.linear.gather [hbm4b:s18+s3], $0x50, $0x38;
	[tilespmem:$0x16900] =	vst v63  }
0x16: {  	_ =	swait.ge [sflag:s12], $0x50  }
0x17: {  	[sflag:s12] =	ssyncset.done $0x0  }
0x18: {  	[sflag:s12] =	ssyncadd.s32 $0xFFFFFFB0  }
0x19: {  	[tilespmem:s14], [sflag:$0x1] =	stream.indirect.gather [hbm4b:s4+s13], $0x80, s3, s13, $0xb8;
	[tilespmem:$0x16900] =	vst v63  }
0x1a: {  	_ =	swait.ge [sflag:s15], $0x2800  }
0x1b: {  	[sflag:s15] =	ssyncset.done $0x0  }
0x1c: {  	s31 =	sadd.s32 $0x0, s9;
	[sflag:s15] =	ssyncadd.s32 $0xFFFFD800  }
0x1d: {  	[tilespmem:s16], [sflag:$0x2] =	stream.linear.gather [hbm4b:s31+s3], $0x50, $0x38;
	[tilespmem:$0x16900] =	vst v63  }
0x1e: {  	_ =	swait.ge [sflag:s12], $0x50  }
0x1f: {  	[sflag:s12] =	ssyncset.done $0x0  }
0x20: {  	[sflag:s12] =	ssyncadd.s32 $0xFFFFFFB0  }
0x21: {  	[spmem:s2] =	stream.indirect.scatter.add.f32 [tilespmem:s14], [sflag:$0x2], $0x80, s16, s13, $0xb8;
	[tilespmem:$0x16900] =	vst v63  }
0x22: {  	_ =	swait.ge [sflag:s12], $0x2800  }
0x23: {  	s19 =	simm.s32 $0x14;
	s18 =	simm.s32 $0xA;
	[sflag:s12] =	ssyncset.done $0x0  }
.LBB2_2:
0x24: {  	s20 =	sadd.s32 s18, s10  }
0x25: {  	[sflag:s12] =	ssyncadd.s32 $0xFFFFD800;
	s21 =	smov.u32 s19;
	s22 =	sadd.s32 $0xA, s19  }
0x26: {  	[tilespmem:s3], [sflag:$0x2] =	stream.linear.gather [hbm4b:s20+s3], $0x50, $0x38;
	[tilespmem:$0x16900] =	vst v63  }
0x27: {  	p0 =	sne.s32 s19, $0x4D8;
	_ =	swait.ge [sflag:s12], $0x50  }
0x28: {  	[sflag:s12] =	ssyncset.done $0x0  }
0x29: {  	[sflag:s12] =	ssyncadd.s32 $0xFFFFFFB0  }
0x2a: {  	[tilespmem:s14], [sflag:$0x1] =	stream.indirect.gather [hbm4b:s4+s13], $0x80, s3, s13, $0xb8;
	[tilespmem:$0x16900] =	vst v63  }
0x2b: {  	_ =	swait.ge [sflag:s15], $0x2800  }
0x2c: {  	[sflag:s15] =	ssyncset.done $0x0  }
0x2d: {  	s19 =	sadd.s32 s18, s9;
	s18 =	smov.u32 s21;
	[sflag:s15] =	ssyncadd.s32 $0xFFFFD800  }
0x2e: {  	[tilespmem:s16], [sflag:$0x2] =	stream.linear.gather [hbm4b:s19+s3], $0x50, $0x38;
	[tilespmem:$0x16900] =	vst v63  }
0x2f: {  	_ =	swait.ge [sflag:s12], $0x50  }
.Ltmp0:
0x30: {  	[sflag:s12] =	ssyncset.done $0x0;
	(pc) =	sbr.rel @p0 .LBB2_2-.Ltmp0, $4  }
0x31: {  	[sflag:s12] =	ssyncadd.s32 $0xFFFFFFB0  }
0x32: {  	[spmem:s2] =	stream.indirect.scatter.add.f32 [tilespmem:s14], [sflag:$0x2], $0x80, s16, s13, $0xb8;
	[tilespmem:$0x16900] =	vst v63  }
0x33: {  	_ =	swait.ge [sflag:s12], $0x2800  }
0x34: {  	s19 =	smov.u32 s22;
	[sflag:s12] =	ssyncset.done $0x0  }
0x35: {  	s19 =	sadd.s32 s18, s10;
	[sflag:s12] =	ssyncadd.s32 $0xFFFFD800  }
0x36: {  	[tilespmem:s3], [sflag:$0x2] =	stream.linear.gather [hbm4b:s19+s3], $0x50, $0x38;
	[tilespmem:$0x16900] =	vst v63  }
0x37: {  	_ =	swait.ge [sflag:s12], $0x50  }
0x38: {  	[sflag:s12] =	ssyncset.done $0x0  }
0x39: {  	[sflag:s12] =	ssyncadd.s32 $0xFFFFFFB0  }
0x3a: {  	[tilespmem:s14], [sflag:$0x1] =	stream.indirect.gather [hbm4b:s4+s13], $0x80, s3, s13, $0xb8;
	[tilespmem:$0x16900] =	vst v63  }
0x3b: {  	_ =	swait.ge [sflag:s15], $0x2800  }
0x3c: {  	[sflag:s15] =	ssyncset.done $0x0  }
0x3d: {  	s31 =	sadd.s32 s18, s9;
	[sflag:s15] =	ssyncadd.s32 $0xFFFFD800  }
0x3e: {  	[tilespmem:s16], [sflag:$0x2] =	stream.linear.gather [hbm4b:s31+s3], $0x50, $0x38;
	[tilespmem:$0x16900] =	vst v63  }
0x3f: {  	_ =	swait.ge [sflag:s12], $0x50  }
0x40: {  	[sflag:s12] =	ssyncset.done $0x0  }
0x41: {  	[sflag:s12] =	ssyncadd.s32 $0xFFFFFFB0  }
0x42: {  	[spmem:s2] =	stream.indirect.scatter.add.f32 [tilespmem:s14], [sflag:$0x2], $0x80, s16, s13, $0xb8;
	[tilespmem:$0x16900] =	vst v63  }
0x43: {  	_ =	swait.ge [sflag:s12], $0x2800  }
0x44: {  	s17 =	sadd.s32 $0x1, s17;
	[sflag:s12] =	ssyncset.done $0x0  }
0x45: {  	p0 =	sne.s32 s17, s8;
	[sflag:s12] =	ssyncadd.s32 $0xFFFFD800  }
.Ltmp1:
0x46: {  	[bflag:$0x0] =	sbarrier.arrive $0xFFFF;
	(pc) =	sbr.rel @p0 .LBB2_1-.Ltmp1, $4  }
0x47: {  	[hbm:s7], [sflag:s6] =	dma.local [spmem:s11], $0x2800  }
0x48: {  	_ =	swait.ge [sflag:s12], $0x2800  }
0x49: {  	[sflag:s12] =	ssyncset.done $0x0  }
0x4a: {  	[sflag:s12] =	ssyncadd.s32 $0xFFFFD800  }
0x4b: {  	_ =	sfence.sel $0x180000  }
0x4c: {  	[bflag:$0x0] =	sbarrier.arrive $0xFFFF  }
0x4d: {  	p0 =	sne.s32 s0, $0x0;
	_ =	strace $0x9000004A  }
0x4e: {  	s0 =	sadd.s32 @!p0 $0x100000, s1;
	[bflag:$0x2] =	sbarrier.arrive $0xFFFF  }
0x4f: {  	[sflag:s0] =	ssyncadd.tile.s32 @!p0 $0x1;
	_ =	shalt  }
.Lfunc_end2:
_tile_overlayer_lowered:
.L_overlay_start_2:
0x50: {  	(tag) =	ssettag $0x2  }
0x51: {  	s0 =	rddreg [dreg:$0x0];
	s2 =	stileid.u32  }
0x52: {  	s1 =	rddreg [dreg:$0x1];
	p0 =	sne.s32 s2, $0x0  }
0x53: {  	s3 =	rddreg [dreg:$0x2];
	[bflag:$0x3] =	sbarrier.arrive $0xFFFF;
	s2 =	simm.s32 @!p0 $0x1C02  }
0x54: {  	[timem:s3], [sflag:s2] =	dma.local @!p0 [hbm:s0], s1  }
0x55: {  	s0 =	simm.s32 @!p0 $0x2  }
0x56: {  	_ =	swait.ge @!p0 [sflag:s0], s1  }
0x57: {  	s1 =	ssub.s32 @!p0 $0x0, s1;
	[sflag:s0] =	ssyncset.done @!p0 $0x0  }
0x58: {  	[sflag:s0] =	ssyncadd.s32 @!p0 s1  }
0x59: {  	[bflag:$0x3] =	sbarrier.arrive $0xFFFF  }
0x5a: {  	_ =	shalt  }

// kernel: kernel.23.cloned.1.call-start
scs
__scs_entry_jumppad:
0x0: {  	(pc) =	sbr.rel $0x88, $3  }
0x1: {  	(tag) =	ssettag $0x0;
	lr =	simm.s32 $0x1  }
0x2: {  	[smem:$0x3F97] =	sst lr;
	_ =	strace $0xD0000000  }
0x3: {  	_ = 	snop  }
0x4: {  	_ = 	snop  }
0x5: {  	_ = 	snop  }
0x6: {  	_ = 	snop  }
0x7: {  	_ = 	snop  }
__scs_overlays_trampoline_lowered:
0x8: {  	[smem:$0x3FA6] =	sst s0  }
0x9: {  	[smem:$0x3FA7] =	sst s1  }
0xa: {  	[smem:$0x3FA8] =	sst s2  }
0xb: {  	[smem:$0x3FA9] =	sst s3  }
0xc: {  	[smem:$0x3FAA] =	sst s4  }
0xd: {  	[smem:$0x3FAB] =	sst s5  }
0xe: {  	[smem:$0x3FAC] =	sst s6  }
0xf: {  	[smem:$0x3FAD] =	sst s7  }
0x10: {  	[smem:$0x3FAE] =	sst s8  }
0x11: {  	[smem:$0x3FAF] =	sst s9;
	s0 =	simm.s32 @!p0 $0x0  }
0x12: {  	s1 =	sld [smem:$0x3F95];
	s0 =	simm.s32 @p0 $0x1  }
0x13: {  	[smem:$0x3FB0] =	sst s0;
	s0 =	simm.s32 @!p1 $0x0  }
0x14: {  	s2 =	sld [smem:$0x3F94];
	s0 =	simm.s32 @p1 $0x1  }
0x15: {  	[smem:$0x3FB1] =	sst s0;
	s0 =	simm.s32 @!p2 $0x0  }
0x16: {  	s3 =	sld [smem:$0x3FDB];
	s0 =	simm.s32 @p2 $0x1  }
0x17: {  	s4 =	simm.s32 $0x1BF5;
	[smem:$0x3FB3] =	sst s0  }
0x18: {  	s0 =	sld [smem:$0x3F96];
	_ =	swait.ge [sflag:s4], $0x0  }
0x19: {  	s7 =	sld [smem:$0x3F97]  }
0x1a: {  	s8 =	sadd.s32 $0xFFFFE003, lr  }
0x1b: {  	s9 =	sadd.s32 $0xFFFFFEF7, lr;
	s5 =	simm.s32 $0xFFFFFFFF;
	p2 =	slt.u32 s8, $0xFFFFF086  }
0x1c: {  	p1 =	slt.u32 s9, $0xF7A;
	s5 =	simm.s32 @!p2 $0x0  }
0x1d: {  	s5 =	simm.s32 @p1 $0x1;
	p0 =	seq.s32 s7, s2  }
0x1e: {  	s7 =	smul.u32 @!p0 $0xF7A, s2;
	p2 =	seq.s32 @!p0 s5, $0x0  }
0x1f: {  	s9 =	smul.u32 $0xF7A, s1;
	s8 =	simm.s32 @!p0 $0x1BF5;
	p2 =	por !p2, p0  }
0x20: {  	[sflag:s8] =	ssyncset.s32 @!p0 $0xFFFFF086;
	s6 =	sadd.s32 @!p0 s3, s7;
	s7 =	simm.s32 @!p0 $0x108  }
0x21: {  	s3 =	sadd.s32 s3, s9;
	s6 =	sadd.s32 @!p0 $0x88, s6;
	s7 =	simm.s32 @p2 $0x1082  }
0x22: {  	[simem:s7], [sflag:s8] =	dma.local @!p0 [hbm:s6], $0xF7A  }
0x23: {  	s9 =	sor.u32 $0xD0000000, s2;
	s6 =	simm.s32 $0x108;
	_ =	swait.ge @!p0 [sflag:s8], $0x0  }
0x24: {  	s3 =	sadd.s32 $0x88, s3;
	s6 =	simm.s32 @!p1 $0x1082;
	[sflag:s4] =	ssyncset.s32 $0xFFFFF086  }
0x25: {  	[simem:s6], [sflag:s4] =	dma.local [hbm:s3], $0xF7A  }
0x26: {  	[smem:$0x3F97] =	sst s1;
	(tag) =	ssettag s2;
	_ =	strace s9  }
0x27: {  	s1 =	sld [smem:$0x3FA7]  }
0x28: {  	s2 =	sld [smem:$0x3FA8]  }
0x29: {  	s4 =	sld [smem:$0x3FAA]  }
0x2a: {  	p0 =	seq.s32 s5, $0x0;
	s5 =	sld [smem:$0x3FAB]  }
0x2b: {  	s6 =	sld [smem:$0x3FAC]  }
0x2c: {  	s7 =	sld [smem:$0x3FAD]  }
0x2d: {  	s3 =	simm.s32 $0x108;
	s8 =	sld [smem:$0x3FAE]  }
0x2e: {  	s3 =	simm.s32 @!p0 $0x1082;
	s9 =	sld [smem:$0x3FAF]  }
0x2f: {  	lr =	sadd.s32 s0, s3;
	s0 =	sld [smem:$0x3FA6]  }
0x30: {  	s3 =	sld [smem:$0x3FA9]  }
0x31: {  	[smem:$0x3FB2] =	sst s10  }
0x32: {  	s10 =	sld [smem:$0x3FB0];
	_ =	sdelay $0x3  }
0x33: {  	p0 =	seq.s32 s10, $0x1;
	s10 =	sld [smem:$0x3FB2];
	_ =	sdelay $0x3  }
0x34: {  	[smem:$0x3FB2] =	sst s10  }
0x35: {  	s10 =	sld [smem:$0x3FB1];
	_ =	sdelay $0x3  }
0x36: {  	p1 =	seq.s32 s10, $0x1;
	s10 =	sld [smem:$0x3FB2];
	_ =	sdelay $0x3  }
0x37: {  	[smem:$0x3FB2] =	sst s10  }
0x38: {  	s10 =	sld [smem:$0x3FB3]  }
0x39: {  	_ = 	snop;
	(pc) =	sbr.ind lr, $3  }
0x3a: {  	_ = 	snop  }
0x3b: {  	_ = 	snop  }
0x3c: {  	p2 =	seq.s32 s10, $0x1;
	s10 =	sld [smem:$0x3FB2]  }
0x3d: {  	_ =	shalt  }
0x3e: {  	_ =	shalt  }
0x3f: {  	_ =	shalt  }
0x40: {  	_ =	shalt  }
0x41: {  	_ =	shalt  }
0x42: {  	_ =	shalt  }
0x43: {  	_ =	shalt  }
0x44: {  	_ =	shalt  }
0x45: {  	_ =	shalt  }
0x46: {  	_ =	shalt  }
0x47: {  	_ =	shalt  }
0x48: {  	_ =	shalt  }
0x49: {  	_ =	shalt  }
0x4a: {  	_ =	shalt  }
0x4b: {  	_ =	shalt  }
0x4c: {  	_ =	shalt  }
0x4d: {  	_ =	shalt  }
0x4e: {  	_ =	shalt  }
0x4f: {  	_ =	shalt  }
0x50: {  	_ =	shalt  }
0x51: {  	_ =	shalt  }
0x52: {  	_ =	shalt  }
0x53: {  	_ =	shalt  }
0x54: {  	_ =	shalt  }
0x55: {  	_ =	shalt  }
0x56: {  	_ =	shalt  }
0x57: {  	_ =	shalt  }
0x58: {  	_ =	shalt  }
0x59: {  	_ =	shalt  }
0x5a: {  	_ =	shalt  }
0x5b: {  	_ =	shalt  }
0x5c: {  	_ =	shalt  }
0x5d: {  	_ =	shalt  }
0x5e: {  	_ =	shalt  }
0x5f: {  	_ =	shalt  }
0x60: {  	_ =	shalt  }
0x61: {  	_ =	shalt  }
0x62: {  	_ =	shalt  }
0x63: {  	_ =	shalt  }
0x64: {  	_ =	shalt  }
0x65: {  	_ =	shalt  }
0x66: {  	_ =	shalt  }
0x67: {  	_ =	shalt  }
0x68: {  	_ =	shalt  }
0x69: {  	_ =	shalt  }
0x6a: {  	_ =	shalt  }
0x6b: {  	_ =	shalt  }
0x6c: {  	_ =	shalt  }
0x6d: {  	_ =	shalt  }
0x6e: {  	_ =	shalt  }
0x6f: {  	_ =	shalt  }
0x70: {  	_ =	shalt  }
0x71: {  	_ =	shalt  }
0x72: {  	_ =	shalt  }
0x73: {  	_ =	shalt  }
0x74: {  	_ =	shalt  }
0x75: {  	_ =	shalt  }
0x76: {  	_ =	shalt  }
0x77: {  	_ =	shalt  }
0x78: {  	_ =	shalt  }
0x79: {  	_ =	shalt  }
0x7a: {  	_ =	shalt  }
0x7b: {  	_ =	shalt  }
0x7c: {  	_ =	shalt  }
0x7d: {  	_ =	shalt  }
0x7e: {  	_ =	shalt  }
0x7f: {  	_ =	shalt  }
0x80: {  	_ =	shalt  }
0x81: {  	_ =	shalt  }
0x82: {  	_ =	shalt  }
0x83: {  	_ =	shalt  }
0x84: {  	_ =	shalt  }
0x85: {  	_ =	shalt  }
0x86: {  	_ =	shalt  }
0x87: {  	_ =	shalt  }
.Lfunc_end0:
.L_simem_size_0:
called_computation.2_lowered:
.L_overlay_start_0:
0x88: {  	s2 =	sld [smem:$0x3FD9]  }
0x89: {  	s3 =	sld [smem:$0x3FFE];
	_ =	sdelay $0x1  }
0x8a: {  	s1 =	srdreg.scid  }
0x8b: {  	s0 =	sand.u32 $0x1, s1  }
0x8c: {  	s16 =	sshll.u32 s0, $0xA;
	s2 =	sadd.s32 s3, s2  }
0x8d: {  	s2 =	sadd.s32 s2, s16  }
0x8e: {  	[smem:$0x3FBE] =	sst s2  }
0x8f: {  	_ = 	snop  }
0x90: {  	(tm) =	ssettm $0x1  }
0x91: {  	s17 =	sld [smem:$0x3FFB];
	_ =	sdelay $0x3  }
0x92: {  	_ =	strace s17  }
0x93: {  	s2 =	sld [smem:$0x3FFC];
	_ =	sdelay $0x3  }
0x94: {  	_ =	strace s2  }
0x95: {  	s2 =	sld [smem:$0x3FFD];
	_ =	sdelay $0x3  }
0x96: {  	_ =	strace s2  }
0x97: {  	_ =	strace $0x8FFFFFFF  }
0x98: {  	s18 =	sld [smem:$0x3FDB];
	_ =	sdelay $0x1  }
0x99: {  	s19 =	simm.s32 $_scs_section_size  }
0x9a: {  	s4 =	simm.s32 $_size__tile_overlayer_lowered;
	s5 =	simm.s32 $_tile_overlayer_lowered  }
0x9b: {  	s22 =	simm.s32 $0x1BFF;
	s21 =	sshll.u32 s5, $0x1;
	s2 =	sadd.s32 s19, s18  }
0x9c: {  	s6 =	simm.s32 $0x0;
	s20 =	sshll.u32 s4, $0x1;
	s4 =	sadd.s32 s21, s2  }
0x9d: {  	[timem:s6], [sflag:s22] =	dma.local [hbm:s4], s20  }
0x9e: {  	_ =	swait.ge [sflag:s22], s20  }
0x9f: {  	s3 =	ssub.s32 $0x0, s20;
	[sflag:s22] =	ssyncset.done $0x0  }
0xa0: {  	[sflag:s22] =	ssyncadd.s32 s3;
	_ =	sdelay $0x1  }
0xa1: {  	s23 =	simm.s32 $0x1B8B  }
0xa2: {  	_ =	swait.ge [sflag:s23], $0x1  }
0xa3: {  	[sflag:s23] =	ssyncset.done $0x0  }
0xa4: {  	s25 =	simm.s32 $0x1B8E;
	s24 =	sld [smem:$0x3FFE];
	[sflag:s23] =	ssyncadd.s32 $0xFFFFFFFF  }
0xa5: {  	s26 =	simm.s32 $execute0_lowered;
	[smem:$0x3FD2] =	sst s25  }
0xa6: {  	s4 =	sshll.u32 s26, $0x1;
	_ =	strace $0x8000004C;
	[dreg:$0x1] =	wrdreg $0xFFFFFFFF  }
0xa7: {  	s28 =	simm.s32 $_size_execute0_lowered;
	s2 =	sadd.s32 s2, s4;
	[dreg:$0x0] =	wrdreg $0x0  }
0xa8: {  	s4 =	sshll.u32 s28, $0x1;
	[dreg:$0x2] =	wrdreg s2  }
0xa9: {  	[dreg:$0x3] =	wrdreg s4  }
0xaa: {  	[dreg:$0x4] =	wrdreg $0xC0  }
0xab: {  	_ =	task [dreg:s6], $0x5FFFF  }
0xac: {  	[dreg:$0x1] =	wrdreg $0xFFFFFFFF  }
0xad: {  	[dreg:$0x0] =	wrdreg $0x60  }
0xae: {  	[dreg:$0x2] =	wrdreg s24  }
0xaf: {  	[dreg:$0x3] =	wrdreg $0x29000  }
0xb0: {  	[dreg:$0x4] =	wrdreg $0x9  }
0xb1: {  	_ =	task.clear_ibuf [dreg:s6], $0x5FFFF;
	_ =	strace $0x9000004C  }
0xb2: {  	s29 =	simm.s32 $0x9;
	_ =	strace $0x8000004E  }
0xb3: {  	_ =	swait.ge [sflag:s29], $0x1  }
0xb4: {  	[sflag:s29] =	ssyncadd.s32 $0xFFFFFFFF  }
0xb5: {  	_ =	strace $0x9000004E  }
0xb6: {  	_ =	sfence  }
0xb7: {  	s30 =	sld [smem:$0x0];
	_ =	sdelay $0x2  }
0xb8: {  	s31 =	sshll.u32 s1, $0xD;
	s1 =	sshrl.u32 s1, $0x2  }
0xb9: {  	s3 =	sand.u32 $0x4000, s31;
	s1 =	sadd.s32 s1, s30  }
0xba: {  	s0 =	sor.u32 s3, s0;
	s1 =	sshll.u32 s1, $0x11  }
0xbb: {  	s0 =	sor.u32 s1, s0  }
0xbc: {  	s0 =	sadd.s32 $0x8F2B, s0  }
0xbd: {  	[sflag:s0] =	ssyncadd.remote.s32 $0x1  }
0xbe: {  	_ =	sfence.sel $0xFFFF  }
0xbf: {  	[dreg:$0x0] =	wrdreg $0xFFFFFFFF;
	(pc) =	sbr.abs _section_cstart, $3  }
0xc0: {  	[dreg:$0x1] =	wrdreg $0xFFFFFFFF  }
0xc1: {  	_ =	task.clear_ibuf [dreg:s6], $0x2FFFF;
	_ =	strace $0x9FFFFFFF  }
0xc2: {  	(tm) =	ssettm $0x7FFFFFFF  }
0xc3: {  	_ =	shalt  }
tec
execute0_lowered:
.L_overlay_start_1:
0x0: {  	(tag) =	ssettag $0x1  }
0x1: {  	s5 =	rddreg [dreg:$0x0]  }
0x2: {  	s0 =	srdreg.scid;
	s2 =	rddreg [dreg:$0x1]  }
0x3: {  	s1 =	rddreg [dreg:$0x2];
	s6 =	sand.u32 $0x1, s0  }
0x4: {  	s3 =	simm.s32 $0x0;
	s0 =	stileid.u32;
	s4 =	smul.u32 $0x27100, s6  }
0x5: {  	s13 =	simm.s32 $0x50;
	s14 =	simm.s32 $0x100;
	s7 =	smul.u32 $0x2710, s0  }
0x6: {  	s15 =	simm.s32 $0x1;
	s16 =	simm.s32 $0x80;
	s8 =	smul.u32 $0x14000, s0  }
0x7: {  	s17 =	simm.s32 $0x0;
	[smem:$0x7FF] =	sst s3;
	s9 =	smul.u32 $0x140000, s6  }
0x8: {  	_ =	strace $0x8000004D;
	s6 =	ssub.s32 $0x2, s6;
	s10 =	smul.u32 $0x50000, s0  }
0x9: {  	s31 =	sshll.u32 s0, $0x6;
	s26 =	sshrl.u32 s6, $0x1;
	s7 =	sadd.s32 s7, s4  }
0xa: {  	s4 =	sadd.s32 $0x17600, s5;
	s9 =	sadd.s32 s8, s9;
	s28 =	ssub.s32 s6, s26  }
0xb: {  	s29 =	sshrl.u32 s10, $0x2;
	s30 =	sshrl.u32 s8, $0x3;
	s6 =	sor.u32 $0x1C02, s31  }
0xc: {  	s7 =	sshrl.u32 s7, $0x3;
	s9 =	sshrl.u32 s9, $0x3;
	s12 =	sadd.s32 s29, s2  }
0xd: {  	s8 =	smax.u32 s28, $0x1;
	s11 =	sadd.s32 s7, s5;
	s25 =	sadd.s32 s9, s5  }
0xe: {  	s5 =	sadd.s32 s4, s30;
	s7 =	sadd.s32 $0x3F600, s25;
	s9 =	sadd.s32 $0xD800, s11  }
0xf: {  	s10 =	sadd.s32 $0x3A00, s11;
	s11 =	sshrl.u32 s12, $0x3;
	s12 =	simm.s32 $0x2  }
.LBB2_1:
0x10: {  	[spmem:s11], [sflag:s6] =	dma.local [hbm:s5], $0x2800  }
0x11: {  	_ =	swait.ge [sflag:s12], $0x2800  }
0x12: {  	[sflag:s12] =	ssyncset.done $0x0  }
0x13: {  	[sflag:s12] =	ssyncadd.s32 $0xFFFFD800  }
0x14: {  	s18 =	sadd.s32 $0x0, s10;
	[bflag:$0x0] =	sbarrier.arrive $0xFFFF  }
0x15: {  	[tilespmem:s3], [sflag:$0x2] =	stream.linear.gather [hbm4b:s18+s3], $0x50, $0x38;
	[tilespmem:$0x16900] =	vst v63  }
0x16: {  	_ =	swait.ge [sflag:s12], $0x50  }
0x17: {  	[sflag:s12] =	ssyncset.done $0x0  }
0x18: {  	[sflag:s12] =	ssyncadd.s32 $0xFFFFFFB0  }
0x19: {  	[tilespmem:s14], [sflag:$0x1] =	stream.indirect.gather [hbm4b:s4+s13], $0x80, s3, s13, $0xb8;
	[tilespmem:$0x16900] =	vst v63  }
0x1a: {  	_ =	swait.ge [sflag:s15], $0x2800  }
0x1b: {  	[sflag:s15] =	ssyncset.done $0x0  }
0x1c: {  	s31 =	sadd.s32 $0x0, s9;
	[sflag:s15] =	ssyncadd.s32 $0xFFFFD800  }
0x1d: {  	[tilespmem:s16], [sflag:$0x2] =	stream.linear.gather [hbm4b:s31+s3], $0x50, $0x38;
	[tilespmem:$0x16900] =	vst v63  }
0x1e: {  	_ =	swait.ge [sflag:s12], $0x50  }
0x1f: {  	[sflag:s12] =	ssyncset.done $0x0  }
0x20: {  	[sflag:s12] =	ssyncadd.s32 $0xFFFFFFB0  }
0x21: {  	[spmem:s2] =	stream.indirect.scatter.add.f32 [tilespmem:s14], [sflag:$0x2], $0x80, s16, s13, $0xb8;
	[tilespmem:$0x16900] =	vst v63  }
0x22: {  	_ =	swait.ge [sflag:s12], $0x2800  }
0x23: {  	s19 =	simm.s32 $0x14;
	s18 =	simm.s32 $0xA;
	[sflag:s12] =	ssyncset.done $0x0  }
.LBB2_2:
0x24: {  	s20 =	sadd.s32 s18, s10  }
0x25: {  	[sflag:s12] =	ssyncadd.s32 $0xFFFFD800;
	s21 =	smov.u32 s19;
	s22 =	sadd.s32 $0xA, s19  }
0x26: {  	[tilespmem:s3], [sflag:$0x2] =	stream.linear.gather [hbm4b:s20+s3], $0x50, $0x38;
	[tilespmem:$0x16900] =	vst v63  }
0x27: {  	p0 =	sne.s32 s19, $0x4D8;
	_ =	swait.ge [sflag:s12], $0x50  }
0x28: {  	[sflag:s12] =	ssyncset.done $0x0  }
0x29: {  	[sflag:s12] =	ssyncadd.s32 $0xFFFFFFB0  }
0x2a: {  	[tilespmem:s14], [sflag:$0x1] =	stream.indirect.gather [hbm4b:s4+s13], $0x80, s3, s13, $0xb8;
	[tilespmem:$0x16900] =	vst v63  }
0x2b: {  	_ =	swait.ge [sflag:s15], $0x2800  }
0x2c: {  	[sflag:s15] =	ssyncset.done $0x0  }
0x2d: {  	s19 =	sadd.s32 s18, s9;
	s18 =	smov.u32 s21;
	[sflag:s15] =	ssyncadd.s32 $0xFFFFD800  }
0x2e: {  	[tilespmem:s16], [sflag:$0x2] =	stream.linear.gather [hbm4b:s19+s3], $0x50, $0x38;
	[tilespmem:$0x16900] =	vst v63  }
0x2f: {  	_ =	swait.ge [sflag:s12], $0x50  }
.Ltmp0:
0x30: {  	[sflag:s12] =	ssyncset.done $0x0;
	(pc) =	sbr.rel @p0 .LBB2_2-.Ltmp0, $4  }
0x31: {  	[sflag:s12] =	ssyncadd.s32 $0xFFFFFFB0  }
0x32: {  	[spmem:s2] =	stream.indirect.scatter.add.f32 [tilespmem:s14], [sflag:$0x2], $0x80, s16, s13, $0xb8;
	[tilespmem:$0x16900] =	vst v63  }
0x33: {  	_ =	swait.ge [sflag:s12], $0x2800  }
0x34: {  	s19 =	smov.u32 s22;
	[sflag:s12] =	ssyncset.done $0x0  }
0x35: {  	s19 =	sadd.s32 s18, s10;
	[sflag:s12] =	ssyncadd.s32 $0xFFFFD800  }
0x36: {  	[tilespmem:s3], [sflag:$0x2] =	stream.linear.gather [hbm4b:s19+s3], $0x50, $0x38;
	[tilespmem:$0x16900] =	vst v63  }
0x37: {  	_ =	swait.ge [sflag:s12], $0x50  }
0x38: {  	[sflag:s12] =	ssyncset.done $0x0  }
0x39: {  	[sflag:s12] =	ssyncadd.s32 $0xFFFFFFB0  }
0x3a: {  	[tilespmem:s14], [sflag:$0x1] =	stream.indirect.gather [hbm4b:s4+s13], $0x80, s3, s13, $0xb8;
	[tilespmem:$0x16900] =	vst v63  }
0x3b: {  	_ =	swait.ge [sflag:s15], $0x2800  }
0x3c: {  	[sflag:s15] =	ssyncset.done $0x0  }
0x3d: {  	s31 =	sadd.s32 s18, s9;
	[sflag:s15] =	ssyncadd.s32 $0xFFFFD800  }
0x3e: {  	[tilespmem:s16], [sflag:$0x2] =	stream.linear.gather [hbm4b:s31+s3], $0x50, $0x38;
	[tilespmem:$0x16900] =	vst v63  }
0x3f: {  	_ =	swait.ge [sflag:s12], $0x50  }
0x40: {  	[sflag:s12] =	ssyncset.done $0x0  }
0x41: {  	[sflag:s12] =	ssyncadd.s32 $0xFFFFFFB0  }
0x42: {  	[spmem:s2] =	stream.indirect.scatter.add.f32 [tilespmem:s14], [sflag:$0x2], $0x80, s16, s13, $0xb8;
	[tilespmem:$0x16900] =	vst v63  }
0x43: {  	_ =	swait.ge [sflag:s12], $0x2800  }
0x44: {  	s17 =	sadd.s32 $0x1, s17;
	[sflag:s12] =	ssyncset.done $0x0  }
0x45: {  	p0 =	sne.s32 s17, s8;
	[sflag:s12] =	ssyncadd.s32 $0xFFFFD800  }
.Ltmp1:
0x46: {  	[bflag:$0x0] =	sbarrier.arrive $0xFFFF;
	(pc) =	sbr.rel @p0 .LBB2_1-.Ltmp1, $4  }
0x47: {  	[hbm:s7], [sflag:s6] =	dma.local [spmem:s11], $0x2800  }
0x48: {  	_ =	swait.ge [sflag:s12], $0x2800  }
0x49: {  	[sflag:s12] =	ssyncset.done $0x0  }
0x4a: {  	[sflag:s12] =	ssyncadd.s32 $0xFFFFD800  }
0x4b: {  	_ =	sfence.sel $0x180000  }
0x4c: {  	[bflag:$0x0] =	sbarrier.arrive $0xFFFF  }
0x4d: {  	p0 =	sne.s32 s0, $0x0;
	_ =	strace $0x9000004D  }
0x4e: {  	s0 =	sadd.s32 @!p0 $0x100000, s1;
	[bflag:$0x2] =	sbarrier.arrive $0xFFFF  }
0x4f: {  	[sflag:s0] =	ssyncadd.tile.s32 @!p0 $0x1;
	_ =	shalt  }
.Lfunc_end2:
_tile_overlayer_lowered:
.L_overlay_start_2:
0x50: {  	(tag) =	ssettag $0x2  }
0x51: {  	s0 =	rddreg [dreg:$0x0];
	s2 =	stileid.u32  }
0x52: {  	s1 =	rddreg [dreg:$0x1];
	p0 =	sne.s32 s2, $0x0  }
0x53: {  	s3 =	rddreg [dreg:$0x2];
	[bflag:$0x3] =	sbarrier.arrive $0xFFFF;
	s2 =	simm.s32 @!p0 $0x1C02  }
0x54: {  	[timem:s3], [sflag:s2] =	dma.local @!p0 [hbm:s0], s1  }
0x55: {  	s0 =	simm.s32 @!p0 $0x2  }
0x56: {  	_ =	swait.ge @!p0 [sflag:s0], s1  }
0x57: {  	s1 =	ssub.s32 @!p0 $0x0, s1;
	[sflag:s0] =	ssyncset.done @!p0 $0x0  }
0x58: {  	[sflag:s0] =	ssyncadd.s32 @!p0 s1  }
0x59: {  	[bflag:$0x3] =	sbarrier.arrive $0xFFFF  }
0x5a: {  	_ =	shalt  }

// kernel: kernel.26.cloned.1.call-start
scs
__scs_entry_jumppad:
0x0: {  	(pc) =	sbr.rel $0x88, $3  }
0x1: {  	(tag) =	ssettag $0x0;
	lr =	simm.s32 $0x1  }
0x2: {  	[smem:$0x3F97] =	sst lr;
	_ =	strace $0xD0000000  }
0x3: {  	_ = 	snop  }
0x4: {  	_ = 	snop  }
0x5: {  	_ = 	snop  }
0x6: {  	_ = 	snop  }
0x7: {  	_ = 	snop  }
__scs_overlays_trampoline_lowered:
0x8: {  	[smem:$0x3FA6] =	sst s0  }
0x9: {  	[smem:$0x3FA7] =	sst s1  }
0xa: {  	[smem:$0x3FA8] =	sst s2  }
0xb: {  	[smem:$0x3FA9] =	sst s3  }
0xc: {  	[smem:$0x3FAA] =	sst s4  }
0xd: {  	[smem:$0x3FAB] =	sst s5  }
0xe: {  	[smem:$0x3FAC] =	sst s6  }
0xf: {  	[smem:$0x3FAD] =	sst s7  }
0x10: {  	[smem:$0x3FAE] =	sst s8  }
0x11: {  	[smem:$0x3FAF] =	sst s9;
	s0 =	simm.s32 @!p0 $0x0  }
0x12: {  	s1 =	sld [smem:$0x3F95];
	s0 =	simm.s32 @p0 $0x1  }
0x13: {  	[smem:$0x3FB0] =	sst s0;
	s0 =	simm.s32 @!p1 $0x0  }
0x14: {  	s2 =	sld [smem:$0x3F94];
	s0 =	simm.s32 @p1 $0x1  }
0x15: {  	[smem:$0x3FB1] =	sst s0;
	s0 =	simm.s32 @!p2 $0x0  }
0x16: {  	s3 =	sld [smem:$0x3FDB];
	s0 =	simm.s32 @p2 $0x1  }
0x17: {  	s4 =	simm.s32 $0x1BF5;
	[smem:$0x3FB3] =	sst s0  }
0x18: {  	s0 =	sld [smem:$0x3F96];
	_ =	swait.ge [sflag:s4], $0x0  }
0x19: {  	s7 =	sld [smem:$0x3F97]  }
0x1a: {  	s8 =	sadd.s32 $0xFFFFE003, lr  }
0x1b: {  	s9 =	sadd.s32 $0xFFFFFEF7, lr;
	s5 =	simm.s32 $0xFFFFFFFF;
	p2 =	slt.u32 s8, $0xFFFFF086  }
0x1c: {  	p1 =	slt.u32 s9, $0xF7A;
	s5 =	simm.s32 @!p2 $0x0  }
0x1d: {  	s5 =	simm.s32 @p1 $0x1;
	p0 =	seq.s32 s7, s2  }
0x1e: {  	s7 =	smul.u32 @!p0 $0xF7A, s2;
	p2 =	seq.s32 @!p0 s5, $0x0  }
0x1f: {  	s9 =	smul.u32 $0xF7A, s1;
	s8 =	simm.s32 @!p0 $0x1BF5;
	p2 =	por !p2, p0  }
0x20: {  	[sflag:s8] =	ssyncset.s32 @!p0 $0xFFFFF086;
	s6 =	sadd.s32 @!p0 s3, s7;
	s7 =	simm.s32 @!p0 $0x108  }
0x21: {  	s3 =	sadd.s32 s3, s9;
	s6 =	sadd.s32 @!p0 $0x88, s6;
	s7 =	simm.s32 @p2 $0x1082  }
0x22: {  	[simem:s7], [sflag:s8] =	dma.local @!p0 [hbm:s6], $0xF7A  }
0x23: {  	s9 =	sor.u32 $0xD0000000, s2;
	s6 =	simm.s32 $0x108;
	_ =	swait.ge @!p0 [sflag:s8], $0x0  }
0x24: {  	s3 =	sadd.s32 $0x88, s3;
	s6 =	simm.s32 @!p1 $0x1082;
	[sflag:s4] =	ssyncset.s32 $0xFFFFF086  }
0x25: {  	[simem:s6], [sflag:s4] =	dma.local [hbm:s3], $0xF7A  }
0x26: {  	[smem:$0x3F97] =	sst s1;
	(tag) =	ssettag s2;
	_ =	strace s9  }
0x27: {  	s1 =	sld [smem:$0x3FA7]  }
0x28: {  	s2 =	sld [smem:$0x3FA8]  }
0x29: {  	s4 =	sld [smem:$0x3FAA]  }
0x2a: {  	p0 =	seq.s32 s5, $0x0;
	s5 =	sld [smem:$0x3FAB]  }
0x2b: {  	s6 =	sld [smem:$0x3FAC]  }
0x2c: {  	s7 =	sld [smem:$0x3FAD]  }
0x2d: {  	s3 =	simm.s32 $0x108;
	s8 =	sld [smem:$0x3FAE]  }
0x2e: {  	s3 =	simm.s32 @!p0 $0x1082;
	s9 =	sld [smem:$0x3FAF]  }
0x2f: {  	lr =	sadd.s32 s0, s3;
	s0 =	sld [smem:$0x3FA6]  }
0x30: {  	s3 =	sld [smem:$0x3FA9]  }
0x31: {  	[smem:$0x3FB2] =	sst s10  }
0x32: {  	s10 =	sld [smem:$0x3FB0];
	_ =	sdelay $0x3  }
0x33: {  	p0 =	seq.s32 s10, $0x1;
	s10 =	sld [smem:$0x3FB2];
	_ =	sdelay $0x3  }
0x34: {  	[smem:$0x3FB2] =	sst s10  }
0x35: {  	s10 =	sld [smem:$0x3FB1];
	_ =	sdelay $0x3  }
0x36: {  	p1 =	seq.s32 s10, $0x1;
	s10 =	sld [smem:$0x3FB2];
	_ =	sdelay $0x3  }
0x37: {  	[smem:$0x3FB2] =	sst s10  }
0x38: {  	s10 =	sld [smem:$0x3FB3]  }
0x39: {  	_ = 	snop;
	(pc) =	sbr.ind lr, $3  }
0x3a: {  	_ = 	snop  }
0x3b: {  	_ = 	snop  }
0x3c: {  	p2 =	seq.s32 s10, $0x1;
	s10 =	sld [smem:$0x3FB2]  }
0x3d: {  	_ =	shalt  }
0x3e: {  	_ =	shalt  }
0x3f: {  	_ =	shalt  }
0x40: {  	_ =	shalt  }
0x41: {  	_ =	shalt  }
0x42: {  	_ =	shalt  }
0x43: {  	_ =	shalt  }
0x44: {  	_ =	shalt  }
0x45: {  	_ =	shalt  }
0x46: {  	_ =	shalt  }
0x47: {  	_ =	shalt  }
0x48: {  	_ =	shalt  }
0x49: {  	_ =	shalt  }
0x4a: {  	_ =	shalt  }
0x4b: {  	_ =	shalt  }
0x4c: {  	_ =	shalt  }
0x4d: {  	_ =	shalt  }
0x4e: {  	_ =	shalt  }
0x4f: {  	_ =	shalt  }
0x50: {  	_ =	shalt  }
0x51: {  	_ =	shalt  }
0x52: {  	_ =	shalt  }
0x53: {  	_ =	shalt  }
0x54: {  	_ =	shalt  }
0x55: {  	_ =	shalt  }
0x56: {  	_ =	shalt  }
0x57: {  	_ =	shalt  }
0x58: {  	_ =	shalt  }
0x59: {  	_ =	shalt  }
0x5a: {  	_ =	shalt  }
0x5b: {  	_ =	shalt  }
0x5c: {  	_ =	shalt  }
0x5d: {  	_ =	shalt  }
0x5e: {  	_ =	shalt  }
0x5f: {  	_ =	shalt  }
0x60: {  	_ =	shalt  }
0x61: {  	_ =	shalt  }
0x62: {  	_ =	shalt  }
0x63: {  	_ =	shalt  }
0x64: {  	_ =	shalt  }
0x65: {  	_ =	shalt  }
0x66: {  	_ =	shalt  }
0x67: {  	_ =	shalt  }
0x68: {  	_ =	shalt  }
0x69: {  	_ =	shalt  }
0x6a: {  	_ =	shalt  }
0x6b: {  	_ =	shalt  }
0x6c: {  	_ =	shalt  }
0x6d: {  	_ =	shalt  }
0x6e: {  	_ =	shalt  }
0x6f: {  	_ =	shalt  }
0x70: {  	_ =	shalt  }
0x71: {  	_ =	shalt  }
0x72: {  	_ =	shalt  }
0x73: {  	_ =	shalt  }
0x74: {  	_ =	shalt  }
0x75: {  	_ =	shalt  }
0x76: {  	_ =	shalt  }
0x77: {  	_ =	shalt  }
0x78: {  	_ =	shalt  }
0x79: {  	_ =	shalt  }
0x7a: {  	_ =	shalt  }
0x7b: {  	_ =	shalt  }
0x7c: {  	_ =	shalt  }
0x7d: {  	_ =	shalt  }
0x7e: {  	_ =	shalt  }
0x7f: {  	_ =	shalt  }
0x80: {  	_ =	shalt  }
0x81: {  	_ =	shalt  }
0x82: {  	_ =	shalt  }
0x83: {  	_ =	shalt  }
0x84: {  	_ =	shalt  }
0x85: {  	_ =	shalt  }
0x86: {  	_ =	shalt  }
0x87: {  	_ =	shalt  }
.Lfunc_end0:
.L_simem_size_0:
called_computation.3_lowered:
.L_overlay_start_0:
0x88: {  	s2 =	sld [smem:$0x3FD9]  }
0x89: {  	s3 =	sld [smem:$0x3FFE];
	_ =	sdelay $0x1  }
0x8a: {  	s1 =	srdreg.scid  }
0x8b: {  	s0 =	sand.u32 $0x1, s1  }
0x8c: {  	s16 =	sshll.u32 s0, $0xA;
	s2 =	sadd.s32 s3, s2  }
0x8d: {  	s2 =	sadd.s32 s2, s16  }
0x8e: {  	[smem:$0x3FBE] =	sst s2  }
0x8f: {  	_ = 	snop  }
0x90: {  	(tm) =	ssettm $0x1  }
0x91: {  	s17 =	sld [smem:$0x3FFB];
	_ =	sdelay $0x3  }
0x92: {  	_ =	strace s17  }
0x93: {  	s2 =	sld [smem:$0x3FFC];
	_ =	sdelay $0x3  }
0x94: {  	_ =	strace s2  }
0x95: {  	s2 =	sld [smem:$0x3FFD];
	_ =	sdelay $0x3  }
0x96: {  	_ =	strace s2  }
0x97: {  	_ =	strace $0x8FFFFFFF  }
0x98: {  	s18 =	sld [smem:$0x3FDB];
	_ =	sdelay $0x1  }
0x99: {  	s19 =	simm.s32 $_scs_section_size  }
0x9a: {  	s4 =	simm.s32 $_size__tile_overlayer_lowered;
	s5 =	simm.s32 $_tile_overlayer_lowered  }
0x9b: {  	s22 =	simm.s32 $0x1BFF;
	s21 =	sshll.u32 s5, $0x1;
	s2 =	sadd.s32 s19, s18  }
0x9c: {  	s6 =	simm.s32 $0x0;
	s20 =	sshll.u32 s4, $0x1;
	s4 =	sadd.s32 s21, s2  }
0x9d: {  	[timem:s6], [sflag:s22] =	dma.local [hbm:s4], s20  }
0x9e: {  	_ =	swait.ge [sflag:s22], s20  }
0x9f: {  	s3 =	ssub.s32 $0x0, s20;
	[sflag:s22] =	ssyncset.done $0x0  }
0xa0: {  	[sflag:s22] =	ssyncadd.s32 s3;
	_ =	sdelay $0x1  }
0xa1: {  	s23 =	simm.s32 $0x1B8B  }
0xa2: {  	_ =	swait.ge [sflag:s23], $0x1  }
0xa3: {  	[sflag:s23] =	ssyncset.done $0x0  }
0xa4: {  	s25 =	simm.s32 $0x1B8E;
	s24 =	sld [smem:$0x3FFE];
	[sflag:s23] =	ssyncadd.s32 $0xFFFFFFFF  }
0xa5: {  	s26 =	simm.s32 $execute0_lowered;
	[smem:$0x3FD2] =	sst s25  }
0xa6: {  	s4 =	sshll.u32 s26, $0x1;
	_ =	strace $0x8000004F;
	[dreg:$0x1] =	wrdreg $0xFFFFFFFF  }
0xa7: {  	s28 =	simm.s32 $_size_execute0_lowered;
	s2 =	sadd.s32 s2, s4;
	[dreg:$0x0] =	wrdreg $0x0  }
0xa8: {  	s4 =	sshll.u32 s28, $0x1;
	[dreg:$0x2] =	wrdreg s2  }
0xa9: {  	[dreg:$0x3] =	wrdreg s4  }
0xaa: {  	[dreg:$0x4] =	wrdreg $0xC0  }
0xab: {  	_ =	task [dreg:s6], $0x5FFFF  }
0xac: {  	[dreg:$0x1] =	wrdreg $0xFFFFFFFF  }
0xad: {  	[dreg:$0x0] =	wrdreg $0x60  }
0xae: {  	[dreg:$0x2] =	wrdreg s24  }
0xaf: {  	[dreg:$0x3] =	wrdreg $0x29000  }
0xb0: {  	[dreg:$0x4] =	wrdreg $0x9  }
0xb1: {  	_ =	task.clear_ibuf [dreg:s6], $0x5FFFF;
	_ =	strace $0x9000004F  }
0xb2: {  	s29 =	simm.s32 $0x9;
	_ =	strace $0x80000051  }
0xb3: {  	_ =	swait.ge [sflag:s29], $0x1  }
0xb4: {  	[sflag:s29] =	ssyncadd.s32 $0xFFFFFFFF  }
0xb5: {  	_ =	strace $0x90000051  }
0xb6: {  	_ =	sfence  }
0xb7: {  	s30 =	sld [smem:$0x0];
	_ =	sdelay $0x2  }
0xb8: {  	s31 =	sshll.u32 s1, $0xD;
	s1 =	sshrl.u32 s1, $0x2  }
0xb9: {  	s3 =	sand.u32 $0x4000, s31;
	s1 =	sadd.s32 s1, s30  }
0xba: {  	s0 =	sor.u32 s3, s0;
	s1 =	sshll.u32 s1, $0x11  }
0xbb: {  	s0 =	sor.u32 s1, s0  }
0xbc: {  	s0 =	sadd.s32 $0x8F2B, s0  }
0xbd: {  	[sflag:s0] =	ssyncadd.remote.s32 $0x1  }
0xbe: {  	_ =	sfence.sel $0xFFFF  }
0xbf: {  	[dreg:$0x0] =	wrdreg $0xFFFFFFFF;
	(pc) =	sbr.abs _section_cstart, $3  }
0xc0: {  	[dreg:$0x1] =	wrdreg $0xFFFFFFFF  }
0xc1: {  	_ =	task.clear_ibuf [dreg:s6], $0x2FFFF;
	_ =	strace $0x9FFFFFFF  }
0xc2: {  	(tm) =	ssettm $0x7FFFFFFF  }
0xc3: {  	_ =	shalt  }
tec
execute0_lowered:
.L_overlay_start_1:
0x0: {  	(tag) =	ssettag $0x1  }
0x1: {  	s5 =	rddreg [dreg:$0x0]  }
0x2: {  	s0 =	srdreg.scid;
	s2 =	rddreg [dreg:$0x1]  }
0x3: {  	s1 =	rddreg [dreg:$0x2];
	s6 =	sand.u32 $0x1, s0  }
0x4: {  	s3 =	simm.s32 $0x0;
	s0 =	stileid.u32;
	s4 =	smul.u32 $0x27100, s6  }
0x5: {  	s13 =	simm.s32 $0x50;
	s14 =	simm.s32 $0x100;
	s7 =	smul.u32 $0x2710, s0  }
0x6: {  	s15 =	simm.s32 $0x1;
	s16 =	simm.s32 $0x80;
	s8 =	smul.u32 $0x14000, s0  }
0x7: {  	s17 =	simm.s32 $0x0;
	[smem:$0x7FF] =	sst s3;
	s9 =	smul.u32 $0x140000, s6  }
0x8: {  	_ =	strace $0x80000050;
	s6 =	ssub.s32 $0x2, s6;
	s10 =	smul.u32 $0x50000, s0  }
0x9: {  	s31 =	sshll.u32 s0, $0x6;
	s26 =	sshrl.u32 s6, $0x1;
	s7 =	sadd.s32 s7, s4  }
0xa: {  	s4 =	sadd.s32 $0x17600, s5;
	s9 =	sadd.s32 s8, s9;
	s28 =	ssub.s32 s6, s26  }
0xb: {  	s29 =	sshrl.u32 s10, $0x2;
	s30 =	sshrl.u32 s8, $0x3;
	s6 =	sor.u32 $0x1C02, s31  }
0xc: {  	s7 =	sshrl.u32 s7, $0x3;
	s9 =	sshrl.u32 s9, $0x3;
	s12 =	sadd.s32 s29, s2  }
0xd: {  	s8 =	smax.u32 s28, $0x1;
	s11 =	sadd.s32 s7, s5;
	s25 =	sadd.s32 s9, s5  }
0xe: {  	s5 =	sadd.s32 s4, s30;
	s7 =	sadd.s32 $0x3F600, s25;
	s9 =	sadd.s32 $0xD800, s11  }
0xf: {  	s10 =	sadd.s32 $0x3A00, s11;
	s11 =	sshrl.u32 s12, $0x3;
	s12 =	simm.s32 $0x2  }
.LBB2_1:
0x10: {  	[spmem:s11], [sflag:s6] =	dma.local [hbm:s5], $0x2800  }
0x11: {  	_ =	swait.ge [sflag:s12], $0x2800  }
0x12: {  	[sflag:s12] =	ssyncset.done $0x0  }
0x13: {  	[sflag:s12] =	ssyncadd.s32 $0xFFFFD800  }
0x14: {  	s18 =	sadd.s32 $0x0, s10;
	[bflag:$0x0] =	sbarrier.arrive $0xFFFF  }
0x15: {  	[tilespmem:s3], [sflag:$0x2] =	stream.linear.gather [hbm4b:s18+s3], $0x50, $0x38;
	[tilespmem:$0x16900] =	vst v63  }
0x16: {  	_ =	swait.ge [sflag:s12], $0x50  }
0x17: {  	[sflag:s12] =	ssyncset.done $0x0  }
0x18: {  	[sflag:s12] =	ssyncadd.s32 $0xFFFFFFB0  }
0x19: {  	[tilespmem:s14], [sflag:$0x1] =	stream.indirect.gather [hbm4b:s4+s13], $0x80, s3, s13, $0xb8;
	[tilespmem:$0x16900] =	vst v63  }
0x1a: {  	_ =	swait.ge [sflag:s15], $0x2800  }
0x1b: {  	[sflag:s15] =	ssyncset.done $0x0  }
0x1c: {  	s31 =	sadd.s32 $0x0, s9;
	[sflag:s15] =	ssyncadd.s32 $0xFFFFD800  }
0x1d: {  	[tilespmem:s16], [sflag:$0x2] =	stream.linear.gather [hbm4b:s31+s3], $0x50, $0x38;
	[tilespmem:$0x16900] =	vst v63  }
0x1e: {  	_ =	swait.ge [sflag:s12], $0x50  }
0x1f: {  	[sflag:s12] =	ssyncset.done $0x0  }
0x20: {  	[sflag:s12] =	ssyncadd.s32 $0xFFFFFFB0  }
0x21: {  	[spmem:s2] =	stream.indirect.scatter.add.f32 [tilespmem:s14], [sflag:$0x2], $0x80, s16, s13, $0xb8;
	[tilespmem:$0x16900] =	vst v63  }
0x22: {  	_ =	swait.ge [sflag:s12], $0x2800  }
0x23: {  	s19 =	simm.s32 $0x14;
	s18 =	simm.s32 $0xA;
	[sflag:s12] =	ssyncset.done $0x0  }
.LBB2_2:
0x24: {  	s20 =	sadd.s32 s18, s10  }
0x25: {  	[sflag:s12] =	ssyncadd.s32 $0xFFFFD800;
	s21 =	smov.u32 s19;
	s22 =	sadd.s32 $0xA, s19  }
0x26: {  	[tilespmem:s3], [sflag:$0x2] =	stream.linear.gather [hbm4b:s20+s3], $0x50, $0x38;
	[tilespmem:$0x16900] =	vst v63  }
0x27: {  	p0 =	sne.s32 s19, $0x4D8;
	_ =	swait.ge [sflag:s12], $0x50  }
0x28: {  	[sflag:s12] =	ssyncset.done $0x0  }
0x29: {  	[sflag:s12] =	ssyncadd.s32 $0xFFFFFFB0  }
0x2a: {  	[tilespmem:s14], [sflag:$0x1] =	stream.indirect.gather [hbm4b:s4+s13], $0x80, s3, s13, $0xb8;
	[tilespmem:$0x16900] =	vst v63  }
0x2b: {  	_ =	swait.ge [sflag:s15], $0x2800  }
0x2c: {  	[sflag:s15] =	ssyncset.done $0x0  }
0x2d: {  	s19 =	sadd.s32 s18, s9;
	s18 =	smov.u32 s21;
	[sflag:s15] =	ssyncadd.s32 $0xFFFFD800  }
0x2e: {  	[tilespmem:s16], [sflag:$0x2] =	stream.linear.gather [hbm4b:s19+s3], $0x50, $0x38;
	[tilespmem:$0x16900] =	vst v63  }
0x2f: {  	_ =	swait.ge [sflag:s12], $0x50  }
.Ltmp0:
0x30: {  	[sflag:s12] =	ssyncset.done $0x0;
	(pc) =	sbr.rel @p0 .LBB2_2-.Ltmp0, $4  }
0x31: {  	[sflag:s12] =	ssyncadd.s32 $0xFFFFFFB0  }
0x32: {  	[spmem:s2] =	stream.indirect.scatter.add.f32 [tilespmem:s14], [sflag:$0x2], $0x80, s16, s13, $0xb8;
	[tilespmem:$0x16900] =	vst v63  }
0x33: {  	_ =	swait.ge [sflag:s12], $0x2800  }
0x34: {  	s19 =	smov.u32 s22;
	[sflag:s12] =	ssyncset.done $0x0  }
0x35: {  	s19 =	sadd.s32 s18, s10;
	[sflag:s12] =	ssyncadd.s32 $0xFFFFD800  }
0x36: {  	[tilespmem:s3], [sflag:$0x2] =	stream.linear.gather [hbm4b:s19+s3], $0x50, $0x38;
	[tilespmem:$0x16900] =	vst v63  }
0x37: {  	_ =	swait.ge [sflag:s12], $0x50  }
0x38: {  	[sflag:s12] =	ssyncset.done $0x0  }
0x39: {  	[sflag:s12] =	ssyncadd.s32 $0xFFFFFFB0  }
0x3a: {  	[tilespmem:s14], [sflag:$0x1] =	stream.indirect.gather [hbm4b:s4+s13], $0x80, s3, s13, $0xb8;
	[tilespmem:$0x16900] =	vst v63  }
0x3b: {  	_ =	swait.ge [sflag:s15], $0x2800  }
0x3c: {  	[sflag:s15] =	ssyncset.done $0x0  }
0x3d: {  	s31 =	sadd.s32 s18, s9;
	[sflag:s15] =	ssyncadd.s32 $0xFFFFD800  }
0x3e: {  	[tilespmem:s16], [sflag:$0x2] =	stream.linear.gather [hbm4b:s31+s3], $0x50, $0x38;
	[tilespmem:$0x16900] =	vst v63  }
0x3f: {  	_ =	swait.ge [sflag:s12], $0x50  }
0x40: {  	[sflag:s12] =	ssyncset.done $0x0  }
0x41: {  	[sflag:s12] =	ssyncadd.s32 $0xFFFFFFB0  }
0x42: {  	[spmem:s2] =	stream.indirect.scatter.add.f32 [tilespmem:s14], [sflag:$0x2], $0x80, s16, s13, $0xb8;
	[tilespmem:$0x16900] =	vst v63  }
0x43: {  	_ =	swait.ge [sflag:s12], $0x2800  }
0x44: {  	s17 =	sadd.s32 $0x1, s17;
	[sflag:s12] =	ssyncset.done $0x0  }
0x45: {  	p0 =	sne.s32 s17, s8;
	[sflag:s12] =	ssyncadd.s32 $0xFFFFD800  }
.Ltmp1:
0x46: {  	[bflag:$0x0] =	sbarrier.arrive $0xFFFF;
	(pc) =	sbr.rel @p0 .LBB2_1-.Ltmp1, $4  }
0x47: {  	[hbm:s7], [sflag:s6] =	dma.local [spmem:s11], $0x2800  }
0x48: {  	_ =	swait.ge [sflag:s12], $0x2800  }
0x49: {  	[sflag:s12] =	ssyncset.done $0x0  }
0x4a: {  	[sflag:s12] =	ssyncadd.s32 $0xFFFFD800  }
0x4b: {  	_ =	sfence.sel $0x180000  }
0x4c: {  	[bflag:$0x0] =	sbarrier.arrive $0xFFFF  }
0x4d: {  	p0 =	sne.s32 s0, $0x0;
	_ =	strace $0x90000050  }
0x4e: {  	s0 =	sadd.s32 @!p0 $0x100000, s1;
	[bflag:$0x2] =	sbarrier.arrive $0xFFFF  }
0x4f: {  	[sflag:s0] =	ssyncadd.tile.s32 @!p0 $0x1;
	_ =	shalt  }
.Lfunc_end2:
_tile_overlayer_lowered:
.L_overlay_start_2:
0x50: {  	(tag) =	ssettag $0x2  }
0x51: {  	s0 =	rddreg [dreg:$0x0];
	s2 =	stileid.u32  }
0x52: {  	s1 =	rddreg [dreg:$0x1];
	p0 =	sne.s32 s2, $0x0  }
0x53: {  	s3 =	rddreg [dreg:$0x2];
	[bflag:$0x3] =	sbarrier.arrive $0xFFFF;
	s2 =	simm.s32 @!p0 $0x1C02  }
0x54: {  	[timem:s3], [sflag:s2] =	dma.local @!p0 [hbm:s0], s1  }
0x55: {  	s0 =	simm.s32 @!p0 $0x2  }
0x56: {  	_ =	swait.ge @!p0 [sflag:s0], s1  }
0x57: {  	s1 =	ssub.s32 @!p0 $0x0, s1;
	[sflag:s0] =	ssyncset.done @!p0 $0x0  }
0x58: {  	[sflag:s0] =	ssyncadd.s32 @!p0 s1  }
0x59: {  	[bflag:$0x3] =	sbarrier.arrive $0xFFFF  }
0x5a: {  	_ =	shalt  }

// kernel: kernel.29.cloned.1.call-start
scs
__scs_entry_jumppad:
0x0: {  	(pc) =	sbr.rel $0x88, $3  }
0x1: {  	(tag) =	ssettag $0x0;
	lr =	simm.s32 $0x1  }
0x2: {  	[smem:$0x3F97] =	sst lr;
	_ =	strace $0xD0000000  }
0x3: {  	_ = 	snop  }
0x4: {  	_ = 	snop  }
0x5: {  	_ = 	snop  }
0x6: {  	_ = 	snop  }
0x7: {  	_ = 	snop  }
__scs_overlays_trampoline_lowered:
0x8: {  	[smem:$0x3FA6] =	sst s0  }
0x9: {  	[smem:$0x3FA7] =	sst s1  }
0xa: {  	[smem:$0x3FA8] =	sst s2  }
0xb: {  	[smem:$0x3FA9] =	sst s3  }
0xc: {  	[smem:$0x3FAA] =	sst s4  }
0xd: {  	[smem:$0x3FAB] =	sst s5  }
0xe: {  	[smem:$0x3FAC] =	sst s6  }
0xf: {  	[smem:$0x3FAD] =	sst s7  }
0x10: {  	[smem:$0x3FAE] =	sst s8  }
0x11: {  	[smem:$0x3FAF] =	sst s9;
	s0 =	simm.s32 @!p0 $0x0  }
0x12: {  	s1 =	sld [smem:$0x3F95];
	s0 =	simm.s32 @p0 $0x1  }
0x13: {  	[smem:$0x3FB0] =	sst s0;
	s0 =	simm.s32 @!p1 $0x0  }
0x14: {  	s2 =	sld [smem:$0x3F94];
	s0 =	simm.s32 @p1 $0x1  }
0x15: {  	[smem:$0x3FB1] =	sst s0;
	s0 =	simm.s32 @!p2 $0x0  }
0x16: {  	s3 =	sld [smem:$0x3FDB];
	s0 =	simm.s32 @p2 $0x1  }
0x17: {  	s4 =	simm.s32 $0x1BF5;
	[smem:$0x3FB3] =	sst s0  }
0x18: {  	s0 =	sld [smem:$0x3F96];
	_ =	swait.ge [sflag:s4], $0x0  }
0x19: {  	s7 =	sld [smem:$0x3F97]  }
0x1a: {  	s8 =	sadd.s32 $0xFFFFE003, lr  }
0x1b: {  	s9 =	sadd.s32 $0xFFFFFEF7, lr;
	s5 =	simm.s32 $0xFFFFFFFF;
	p2 =	slt.u32 s8, $0xFFFFF086  }
0x1c: {  	p1 =	slt.u32 s9, $0xF7A;
	s5 =	simm.s32 @!p2 $0x0  }
0x1d: {  	s5 =	simm.s32 @p1 $0x1;
	p0 =	seq.s32 s7, s2  }
0x1e: {  	s7 =	smul.u32 @!p0 $0xF7A, s2;
	p2 =	seq.s32 @!p0 s5, $0x0  }
0x1f: {  	s9 =	smul.u32 $0xF7A, s1;
	s8 =	simm.s32 @!p0 $0x1BF5;
	p2 =	por !p2, p0  }
0x20: {  	[sflag:s8] =	ssyncset.s32 @!p0 $0xFFFFF086;
	s6 =	sadd.s32 @!p0 s3, s7;
	s7 =	simm.s32 @!p0 $0x108  }
0x21: {  	s3 =	sadd.s32 s3, s9;
	s6 =	sadd.s32 @!p0 $0x88, s6;
	s7 =	simm.s32 @p2 $0x1082  }
0x22: {  	[simem:s7], [sflag:s8] =	dma.local @!p0 [hbm:s6], $0xF7A  }
0x23: {  	s9 =	sor.u32 $0xD0000000, s2;
	s6 =	simm.s32 $0x108;
	_ =	swait.ge @!p0 [sflag:s8], $0x0  }
0x24: {  	s3 =	sadd.s32 $0x88, s3;
	s6 =	simm.s32 @!p1 $0x1082;
	[sflag:s4] =	ssyncset.s32 $0xFFFFF086  }
0x25: {  	[simem:s6], [sflag:s4] =	dma.local [hbm:s3], $0xF7A  }
0x26: {  	[smem:$0x3F97] =	sst s1;
	(tag) =	ssettag s2;
	_ =	strace s9  }
0x27: {  	s1 =	sld [smem:$0x3FA7]  }
0x28: {  	s2 =	sld [smem:$0x3FA8]  }
0x29: {  	s4 =	sld [smem:$0x3FAA]  }
0x2a: {  	p0 =	seq.s32 s5, $0x0;
	s5 =	sld [smem:$0x3FAB]  }
0x2b: {  	s6 =	sld [smem:$0x3FAC]  }
0x2c: {  	s7 =	sld [smem:$0x3FAD]  }
0x2d: {  	s3 =	simm.s32 $0x108;
	s8 =	sld [smem:$0x3FAE]  }
0x2e: {  	s3 =	simm.s32 @!p0 $0x1082;
	s9 =	sld [smem:$0x3FAF]  }
0x2f: {  	lr =	sadd.s32 s0, s3;
	s0 =	sld [smem:$0x3FA6]  }
0x30: {  	s3 =	sld [smem:$0x3FA9]  }
0x31: {  	[smem:$0x3FB2] =	sst s10  }
0x32: {  	s10 =	sld [smem:$0x3FB0];
	_ =	sdelay $0x3  }
0x33: {  	p0 =	seq.s32 s10, $0x1;
	s10 =	sld [smem:$0x3FB2];
	_ =	sdelay $0x3  }
0x34: {  	[smem:$0x3FB2] =	sst s10  }
0x35: {  	s10 =	sld [smem:$0x3FB1];
	_ =	sdelay $0x3  }
0x36: {  	p1 =	seq.s32 s10, $0x1;
	s10 =	sld [smem:$0x3FB2];
	_ =	sdelay $0x3  }
0x37: {  	[smem:$0x3FB2] =	sst s10  }
0x38: {  	s10 =	sld [smem:$0x3FB3]  }
0x39: {  	_ = 	snop;
	(pc) =	sbr.ind lr, $3  }
0x3a: {  	_ = 	snop  }
0x3b: {  	_ = 	snop  }
0x3c: {  	p2 =	seq.s32 s10, $0x1;
	s10 =	sld [smem:$0x3FB2]  }
0x3d: {  	_ =	shalt  }
0x3e: {  	_ =	shalt  }
0x3f: {  	_ =	shalt  }
0x40: {  	_ =	shalt  }
0x41: {  	_ =	shalt  }
0x42: {  	_ =	shalt  }
0x43: {  	_ =	shalt  }
0x44: {  	_ =	shalt  }
0x45: {  	_ =	shalt  }
0x46: {  	_ =	shalt  }
0x47: {  	_ =	shalt  }
0x48: {  	_ =	shalt  }
0x49: {  	_ =	shalt  }
0x4a: {  	_ =	shalt  }
0x4b: {  	_ =	shalt  }
0x4c: {  	_ =	shalt  }
0x4d: {  	_ =	shalt  }
0x4e: {  	_ =	shalt  }
0x4f: {  	_ =	shalt  }
0x50: {  	_ =	shalt  }
0x51: {  	_ =	shalt  }
0x52: {  	_ =	shalt  }
0x53: {  	_ =	shalt  }
0x54: {  	_ =	shalt  }
0x55: {  	_ =	shalt  }
0x56: {  	_ =	shalt  }
0x57: {  	_ =	shalt  }
0x58: {  	_ =	shalt  }
0x59: {  	_ =	shalt  }
0x5a: {  	_ =	shalt  }
0x5b: {  	_ =	shalt  }
0x5c: {  	_ =	shalt  }
0x5d: {  	_ =	shalt  }
0x5e: {  	_ =	shalt  }
0x5f: {  	_ =	shalt  }
0x60: {  	_ =	shalt  }
0x61: {  	_ =	shalt  }
0x62: {  	_ =	shalt  }
0x63: {  	_ =	shalt  }
0x64: {  	_ =	shalt  }
0x65: {  	_ =	shalt  }
0x66: {  	_ =	shalt  }
0x67: {  	_ =	shalt  }
0x68: {  	_ =	shalt  }
0x69: {  	_ =	shalt  }
0x6a: {  	_ =	shalt  }
0x6b: {  	_ =	shalt  }
0x6c: {  	_ =	shalt  }
0x6d: {  	_ =	shalt  }
0x6e: {  	_ =	shalt  }
0x6f: {  	_ =	shalt  }
0x70: {  	_ =	shalt  }
0x71: {  	_ =	shalt  }
0x72: {  	_ =	shalt  }
0x73: {  	_ =	shalt  }
0x74: {  	_ =	shalt  }
0x75: {  	_ =	shalt  }
0x76: {  	_ =	shalt  }
0x77: {  	_ =	shalt  }
0x78: {  	_ =	shalt  }
0x79: {  	_ =	shalt  }
0x7a: {  	_ =	shalt  }
0x7b: {  	_ =	shalt  }
0x7c: {  	_ =	shalt  }
0x7d: {  	_ =	shalt  }
0x7e: {  	_ =	shalt  }
0x7f: {  	_ =	shalt  }
0x80: {  	_ =	shalt  }
0x81: {  	_ =	shalt  }
0x82: {  	_ =	shalt  }
0x83: {  	_ =	shalt  }
0x84: {  	_ =	shalt  }
0x85: {  	_ =	shalt  }
0x86: {  	_ =	shalt  }
0x87: {  	_ =	shalt  }
.Lfunc_end0:
.L_simem_size_0:
called_computation.4_lowered:
.L_overlay_start_0:
0x88: {  	s2 =	sld [smem:$0x3FD9]  }
0x89: {  	s3 =	sld [smem:$0x3FFE];
	_ =	sdelay $0x1  }
0x8a: {  	s1 =	srdreg.scid  }
0x8b: {  	s0 =	sand.u32 $0x1, s1  }
0x8c: {  	s16 =	sshll.u32 s0, $0xA;
	s2 =	sadd.s32 s3, s2  }
0x8d: {  	s2 =	sadd.s32 s2, s16  }
0x8e: {  	[smem:$0x3FBE] =	sst s2  }
0x8f: {  	_ = 	snop  }
0x90: {  	(tm) =	ssettm $0x1  }
0x91: {  	s17 =	sld [smem:$0x3FFB];
	_ =	sdelay $0x3  }
0x92: {  	_ =	strace s17  }
0x93: {  	s2 =	sld [smem:$0x3FFC];
	_ =	sdelay $0x3  }
0x94: {  	_ =	strace s2  }
0x95: {  	s2 =	sld [smem:$0x3FFD];
	_ =	sdelay $0x3  }
0x96: {  	_ =	strace s2  }
0x97: {  	_ =	strace $0x8FFFFFFF  }
0x98: {  	s18 =	sld [smem:$0x3FDB];
	_ =	sdelay $0x1  }
0x99: {  	s19 =	simm.s32 $_scs_section_size  }
0x9a: {  	s4 =	simm.s32 $_size__tile_overlayer_lowered;
	s5 =	simm.s32 $_tile_overlayer_lowered  }
0x9b: {  	s22 =	simm.s32 $0x1BFF;
	s21 =	sshll.u32 s5, $0x1;
	s2 =	sadd.s32 s19, s18  }
0x9c: {  	s6 =	simm.s32 $0x0;
	s20 =	sshll.u32 s4, $0x1;
	s4 =	sadd.s32 s21, s2  }
0x9d: {  	[timem:s6], [sflag:s22] =	dma.local [hbm:s4], s20  }
0x9e: {  	_ =	swait.ge [sflag:s22], s20  }
0x9f: {  	s3 =	ssub.s32 $0x0, s20;
	[sflag:s22] =	ssyncset.done $0x0  }
0xa0: {  	[sflag:s22] =	ssyncadd.s32 s3;
	_ =	sdelay $0x1  }
0xa1: {  	s23 =	simm.s32 $0x1B8B  }
0xa2: {  	_ =	swait.ge [sflag:s23], $0x1  }
0xa3: {  	[sflag:s23] =	ssyncset.done $0x0  }
0xa4: {  	s25 =	simm.s32 $0x1B8E;
	s24 =	sld [smem:$0x3FFE];
	[sflag:s23] =	ssyncadd.s32 $0xFFFFFFFF  }
0xa5: {  	s26 =	simm.s32 $execute0_lowered;
	[smem:$0x3FD2] =	sst s25  }
0xa6: {  	s4 =	sshll.u32 s26, $0x1;
	_ =	strace $0x80000052;
	[dreg:$0x1] =	wrdreg $0xFFFFFFFF  }
0xa7: {  	s28 =	simm.s32 $_size_execute0_lowered;
	s2 =	sadd.s32 s2, s4;
	[dreg:$0x0] =	wrdreg $0x0  }
0xa8: {  	s4 =	sshll.u32 s28, $0x1;
	[dreg:$0x2] =	wrdreg s2  }
0xa9: {  	[dreg:$0x3] =	wrdreg s4  }
0xaa: {  	[dreg:$0x4] =	wrdreg $0xC0  }
0xab: {  	_ =	task [dreg:s6], $0x5FFFF  }
0xac: {  	[dreg:$0x1] =	wrdreg $0xFFFFFFFF  }
0xad: {  	[dreg:$0x0] =	wrdreg $0x60  }
0xae: {  	[dreg:$0x2] =	wrdreg s24  }
0xaf: {  	[dreg:$0x3] =	wrdreg $0x29000  }
0xb0: {  	[dreg:$0x4] =	wrdreg $0x9  }
0xb1: {  	_ =	task.clear_ibuf [dreg:s6], $0x5FFFF;
	_ =	strace $0x90000052  }
0xb2: {  	s29 =	simm.s32 $0x9;
	_ =	strace $0x80000054  }
0xb3: {  	_ =	swait.ge [sflag:s29], $0x1  }
0xb4: {  	[sflag:s29] =	ssyncadd.s32 $0xFFFFFFFF  }
0xb5: {  	_ =	strace $0x90000054  }
0xb6: {  	_ =	sfence  }
0xb7: {  	s30 =	sld [smem:$0x0];
	_ =	sdelay $0x2  }
0xb8: {  	s31 =	sshll.u32 s1, $0xD;
	s1 =	sshrl.u32 s1, $0x2  }
0xb9: {  	s3 =	sand.u32 $0x4000, s31;
	s1 =	sadd.s32 s1, s30  }
0xba: {  	s0 =	sor.u32 s3, s0;
	s1 =	sshll.u32 s1, $0x11  }
0xbb: {  	s0 =	sor.u32 s1, s0  }
0xbc: {  	s0 =	sadd.s32 $0x8F2B, s0  }
0xbd: {  	[sflag:s0] =	ssyncadd.remote.s32 $0x1  }
0xbe: {  	_ =	sfence.sel $0xFFFF  }
0xbf: {  	[dreg:$0x0] =	wrdreg $0xFFFFFFFF;
	(pc) =	sbr.abs _section_cstart, $3  }
0xc0: {  	[dreg:$0x1] =	wrdreg $0xFFFFFFFF  }
0xc1: {  	_ =	task.clear_ibuf [dreg:s6], $0x2FFFF;
	_ =	strace $0x9FFFFFFF  }
0xc2: {  	(tm) =	ssettm $0x7FFFFFFF  }
0xc3: {  	_ =	shalt  }
tec
execute0_lowered:
.L_overlay_start_1:
0x0: {  	(tag) =	ssettag $0x1  }
0x1: {  	s5 =	rddreg [dreg:$0x0]  }
0x2: {  	s0 =	srdreg.scid;
	s2 =	rddreg [dreg:$0x1]  }
0x3: {  	s1 =	rddreg [dreg:$0x2];
	s6 =	sand.u32 $0x1, s0  }
0x4: {  	s3 =	simm.s32 $0x0;
	s0 =	stileid.u32;
	s4 =	smul.u32 $0x27100, s6  }
0x5: {  	s13 =	simm.s32 $0x50;
	s14 =	simm.s32 $0x100;
	s7 =	smul.u32 $0x2710, s0  }
0x6: {  	s15 =	simm.s32 $0x1;
	s16 =	simm.s32 $0x80;
	s8 =	smul.u32 $0x14000, s0  }
0x7: {  	s17 =	simm.s32 $0x0;
	[smem:$0x7FF] =	sst s3;
	s9 =	smul.u32 $0x140000, s6  }
0x8: {  	_ =	strace $0x80000053;
	s6 =	ssub.s32 $0x2, s6;
	s10 =	smul.u32 $0x50000, s0  }
0x9: {  	s31 =	sshll.u32 s0, $0x6;
	s26 =	sshrl.u32 s6, $0x1;
	s7 =	sadd.s32 s7, s4  }
0xa: {  	s4 =	sadd.s32 $0x17600, s5;
	s9 =	sadd.s32 s8, s9;
	s28 =	ssub.s32 s6, s26  }
0xb: {  	s29 =	sshrl.u32 s10, $0x2;
	s30 =	sshrl.u32 s8, $0x3;
	s6 =	sor.u32 $0x1C02, s31  }
0xc: {  	s7 =	sshrl.u32 s7, $0x3;
	s9 =	sshrl.u32 s9, $0x3;
	s12 =	sadd.s32 s29, s2  }
0xd: {  	s8 =	smax.u32 s28, $0x1;
	s11 =	sadd.s32 s7, s5;
	s25 =	sadd.s32 s9, s5  }
0xe: {  	s5 =	sadd.s32 s4, s30;
	s7 =	sadd.s32 $0x3F600, s25;
	s9 =	sadd.s32 $0xD800, s11  }
0xf: {  	s10 =	sadd.s32 $0x3A00, s11;
	s11 =	sshrl.u32 s12, $0x3;
	s12 =	simm.s32 $0x2  }
.LBB2_1:
0x10: {  	[spmem:s11], [sflag:s6] =	dma.local [hbm:s5], $0x2800  }
0x11: {  	_ =	swait.ge [sflag:s12], $0x2800  }
0x12: {  	[sflag:s12] =	ssyncset.done $0x0  }
0x13: {  	[sflag:s12] =	ssyncadd.s32 $0xFFFFD800  }
0x14: {  	s18 =	sadd.s32 $0x0, s10;
	[bflag:$0x0] =	sbarrier.arrive $0xFFFF  }
0x15: {  	[tilespmem:s3], [sflag:$0x2] =	stream.linear.gather [hbm4b:s18+s3], $0x50, $0x38;
	[tilespmem:$0x16900] =	vst v63  }
0x16: {  	_ =	swait.ge [sflag:s12], $0x50  }
0x17: {  	[sflag:s12] =	ssyncset.done $0x0  }
0x18: {  	[sflag:s12] =	ssyncadd.s32 $0xFFFFFFB0  }
0x19: {  	[tilespmem:s14], [sflag:$0x1] =	stream.indirect.gather [hbm4b:s4+s13], $0x80, s3, s13, $0xb8;
	[tilespmem:$0x16900] =	vst v63  }
0x1a: {  	_ =	swait.ge [sflag:s15], $0x2800  }
0x1b: {  	[sflag:s15] =	ssyncset.done $0x0  }
0x1c: {  	s31 =	sadd.s32 $0x0, s9;
	[sflag:s15] =	ssyncadd.s32 $0xFFFFD800  }
0x1d: {  	[tilespmem:s16], [sflag:$0x2] =	stream.linear.gather [hbm4b:s31+s3], $0x50, $0x38;
	[tilespmem:$0x16900] =	vst v63  }
0x1e: {  	_ =	swait.ge [sflag:s12], $0x50  }
0x1f: {  	[sflag:s12] =	ssyncset.done $0x0  }
0x20: {  	[sflag:s12] =	ssyncadd.s32 $0xFFFFFFB0  }
0x21: {  	[spmem:s2] =	stream.indirect.scatter.add.f32 [tilespmem:s14], [sflag:$0x2], $0x80, s16, s13, $0xb8;
	[tilespmem:$0x16900] =	vst v63  }
0x22: {  	_ =	swait.ge [sflag:s12], $0x2800  }
0x23: {  	s19 =	simm.s32 $0x14;
	s18 =	simm.s32 $0xA;
	[sflag:s12] =	ssyncset.done $0x0  }
.LBB2_2:
0x24: {  	s20 =	sadd.s32 s18, s10  }
0x25: {  	[sflag:s12] =	ssyncadd.s32 $0xFFFFD800;
	s21 =	smov.u32 s19;
	s22 =	sadd.s32 $0xA, s19  }
0x26: {  	[tilespmem:s3], [sflag:$0x2] =	stream.linear.gather [hbm4b:s20+s3], $0x50, $0x38;
	[tilespmem:$0x16900] =	vst v63  }
0x27: {  	p0 =	sne.s32 s19, $0x4D8;
	_ =	swait.ge [sflag:s12], $0x50  }
0x28: {  	[sflag:s12] =	ssyncset.done $0x0  }
0x29: {  	[sflag:s12] =	ssyncadd.s32 $0xFFFFFFB0  }
0x2a: {  	[tilespmem:s14], [sflag:$0x1] =	stream.indirect.gather [hbm4b:s4+s13], $0x80, s3, s13, $0xb8;
	[tilespmem:$0x16900] =	vst v63  }
0x2b: {  	_ =	swait.ge [sflag:s15], $0x2800  }
0x2c: {  	[sflag:s15] =	ssyncset.done $0x0  }
0x2d: {  	s19 =	sadd.s32 s18, s9;
	s18 =	smov.u32 s21;
	[sflag:s15] =	ssyncadd.s32 $0xFFFFD800  }
0x2e: {  	[tilespmem:s16], [sflag:$0x2] =	stream.linear.gather [hbm4b:s19+s3], $0x50, $0x38;
	[tilespmem:$0x16900] =	vst v63  }
0x2f: {  	_ =	swait.ge [sflag:s12], $0x50  }
.Ltmp0:
0x30: {  	[sflag:s12] =	ssyncset.done $0x0;
	(pc) =	sbr.rel @p0 .LBB2_2-.Ltmp0, $4  }
0x31: {  	[sflag:s12] =	ssyncadd.s32 $0xFFFFFFB0  }
0x32: {  	[spmem:s2] =	stream.indirect.scatter.add.f32 [tilespmem:s14], [sflag:$0x2], $0x80, s16, s13, $0xb8;
	[tilespmem:$0x16900] =	vst v63  }
0x33: {  	_ =	swait.ge [sflag:s12], $0x2800  }
0x34: {  	s19 =	smov.u32 s22;
	[sflag:s12] =	ssyncset.done $0x0  }
0x35: {  	s19 =	sadd.s32 s18, s10;
	[sflag:s12] =	ssyncadd.s32 $0xFFFFD800  }
0x36: {  	[tilespmem:s3], [sflag:$0x2] =	stream.linear.gather [hbm4b:s19+s3], $0x50, $0x38;
	[tilespmem:$0x16900] =	vst v63  }
0x37: {  	_ =	swait.ge [sflag:s12], $0x50  }
0x38: {  	[sflag:s12] =	ssyncset.done $0x0  }
0x39: {  	[sflag:s12] =	ssyncadd.s32 $0xFFFFFFB0  }
0x3a: {  	[tilespmem:s14], [sflag:$0x1] =	stream.indirect.gather [hbm4b:s4+s13], $0x80, s3, s13, $0xb8;
	[tilespmem:$0x16900] =	vst v63  }
0x3b: {  	_ =	swait.ge [sflag:s15], $0x2800  }
0x3c: {  	[sflag:s15] =	ssyncset.done $0x0  }
0x3d: {  	s31 =	sadd.s32 s18, s9;
	[sflag:s15] =	ssyncadd.s32 $0xFFFFD800  }
0x3e: {  	[tilespmem:s16], [sflag:$0x2] =	stream.linear.gather [hbm4b:s31+s3], $0x50, $0x38;
	[tilespmem:$0x16900] =	vst v63  }
0x3f: {  	_ =	swait.ge [sflag:s12], $0x50  }
0x40: {  	[sflag:s12] =	ssyncset.done $0x0  }
0x41: {  	[sflag:s12] =	ssyncadd.s32 $0xFFFFFFB0  }
0x42: {  	[spmem:s2] =	stream.indirect.scatter.add.f32 [tilespmem:s14], [sflag:$0x2], $0x80, s16, s13, $0xb8;
	[tilespmem:$0x16900] =	vst v63  }
0x43: {  	_ =	swait.ge [sflag:s12], $0x2800  }
0x44: {  	s17 =	sadd.s32 $0x1, s17;
	[sflag:s12] =	ssyncset.done $0x0  }
0x45: {  	p0 =	sne.s32 s17, s8;
	[sflag:s12] =	ssyncadd.s32 $0xFFFFD800  }
.Ltmp1:
0x46: {  	[bflag:$0x0] =	sbarrier.arrive $0xFFFF;
	(pc) =	sbr.rel @p0 .LBB2_1-.Ltmp1, $4  }
0x47: {  	[hbm:s7], [sflag:s6] =	dma.local [spmem:s11], $0x2800  }
0x48: {  	_ =	swait.ge [sflag:s12], $0x2800  }
0x49: {  	[sflag:s12] =	ssyncset.done $0x0  }
0x4a: {  	[sflag:s12] =	ssyncadd.s32 $0xFFFFD800  }
0x4b: {  	_ =	sfence.sel $0x180000  }
0x4c: {  	[bflag:$0x0] =	sbarrier.arrive $0xFFFF  }
0x4d: {  	p0 =	sne.s32 s0, $0x0;
	_ =	strace $0x90000053  }
0x4e: {  	s0 =	sadd.s32 @!p0 $0x100000, s1;
	[bflag:$0x2] =	sbarrier.arrive $0xFFFF  }
0x4f: {  	[sflag:s0] =	ssyncadd.tile.s32 @!p0 $0x1;
	_ =	shalt  }
.Lfunc_end2:
_tile_overlayer_lowered:
.L_overlay_start_2:
0x50: {  	(tag) =	ssettag $0x2  }
0x51: {  	s0 =	rddreg [dreg:$0x0];
	s2 =	stileid.u32  }
0x52: {  	s1 =	rddreg [dreg:$0x1];
	p0 =	sne.s32 s2, $0x0  }
0x53: {  	s3 =	rddreg [dreg:$0x2];
	[bflag:$0x3] =	sbarrier.arrive $0xFFFF;
	s2 =	simm.s32 @!p0 $0x1C02  }
0x54: {  	[timem:s3], [sflag:s2] =	dma.local @!p0 [hbm:s0], s1  }
0x55: {  	s0 =	simm.s32 @!p0 $0x2  }
0x56: {  	_ =	swait.ge @!p0 [sflag:s0], s1  }
0x57: {  	s1 =	ssub.s32 @!p0 $0x0, s1;
	[sflag:s0] =	ssyncset.done @!p0 $0x0  }
0x58: {  	[sflag:s0] =	ssyncadd.s32 @!p0 s1  }
0x59: {  	[bflag:$0x3] =	sbarrier.arrive $0xFFFF  }
0x5a: {  	_ =	shalt  }

</sc_bundles>
